<compile_context>
chip_gen: v7x
topology: tpu7x:2x2x1
jax: 0.10.2.dev20260603
libtpu: 0.0.44.dev20260713+nightly
codegen_flags: <defaults>
</compile_context>

<pallas_src>
import functools

import jax
import jax.numpy as jnp
from jax import lax
from jax.experimental import pallas as pl
from jax.experimental.pallas import tpu as pltpu
from jax.experimental.pallas import tpu_sc as plsc

_B = 4096
_V = 2048
_NOBJ = 10
_L = 16
_NC = 2
_NS = 16
_NW = _NC * _NS
_CHUNK = 1
_EPB = _B // _NW


def _param_body(a_ref, g0_ref, g1_ref, g2_ref, t0_ref, t1_ref, t2_ref, out_ref):
    a = a_ref[...]
    na = jnp.abs(a)
    small_a = na < 1e-6
    safe_a = jnp.where(small_a, jnp.ones_like(na), na)
    sa = jnp.where(small_a, 0.5 - na * na / 48.0, jnp.sin(0.5 * na) / safe_a)
    aw = jnp.cos(0.5 * na)
    az = -a * sa

    g0 = g0_ref[...]
    g1 = g1_ref[...]
    g2 = g2_ref[...]
    n2 = g0 * g0 + g1 * g1 + g2 * g2
    ng = jnp.sqrt(n2)
    small_g = ng < 1e-6
    safe_g = jnp.where(small_g, jnp.ones_like(ng), ng)
    sg = jnp.where(small_g, 0.5 - n2 / 48.0, jnp.sin(0.5 * ng) / safe_g)
    gw = jnp.cos(0.5 * ng)
    gx = g0 * sg
    gy = g1 * sg
    gz = g2 * sg

    tw = gw * aw - gz * az
    tx = gx * aw + gy * az
    ty = gy * aw - gx * az
    tz = gw * az + gz * aw

    def rot(w, x, y, z):
        return (1 - 2 * (y * y + z * z), 2 * (x * y - w * z), 2 * (x * z + w * y),
                2 * (x * y + w * z), 1 - 2 * (x * x + z * z), 2 * (y * z - w * x),
                2 * (x * z - w * y), 2 * (y * z + w * x), 1 - 2 * (x * x + y * y))

    vals = list(rot(gw, gx, gy, gz)) + list(rot(tw, tx, ty, tz))
    vals += [t0_ref[...], t1_ref[...], t2_ref[...]]
    for k, v in enumerate(vals):
        out_ref[k, :, :] = v


def _sc_body(rbase, tab_hbm, idx_hbm, par_hbm, out_hbm,
             tab_v, idx_v, par_v, obuf0_v, obuf1_v, obuf2_v, obuf3_v,
             sem0, sem1, sem2, sem3):
    cid = lax.axis_index("c")
    sid = lax.axis_index("s")
    wid = sid * _NC + cid
    base = wid * _EPB

    pltpu.sync_copy(tab_hbm, tab_v)
    pltpu.sync_copy(idx_hbm.at[pl.ds(base, _EPB)], idx_v)
    pltpu.sync_copy(par_hbm.at[:, pl.ds(base, _EPB)], par_v)

    def full(v):
        return jnp.full((_L,), v, jnp.int32)

    def process_element(obuf, i_loc, e):
        o = jnp.max(plsc.load_gather(idx_v, [full(i_loc)]))
        col = full(i_loc)
        R = [plsc.load_gather(par_v, [full(rbase + m), col]) for m in range(9)]
        T = [plsc.load_gather(par_v, [full(18 + m), col]) for m in range(3)]

        @plsc.parallel_loop(0, _V // _L, unroll=4)
        def _(g):
            v0 = g * _L
            xs = tab_v[o, 0, pl.ds(v0, _L)]
            ys = tab_v[o, 1, pl.ds(v0, _L)]
            zs = tab_v[o, 2, pl.ds(v0, _L)]
            for c in range(3):
                val = (R[3 * c] * xs + R[3 * c + 1] * ys
                       + R[3 * c + 2] * zs + T[c])
                obuf[c, e, pl.ds(v0, _L)] = val

    def drain(obuf, sem):
        pltpu.make_async_copy(
            obuf, out_hbm.at[:, pl.ds(0, _CHUNK), :], sem).wait()

    bufs = ((0, obuf0_v, sem0), (1, obuf1_v, sem1),
            (2, obuf2_v, sem2), (3, obuf3_v, sem3))

    def super_body(m, carry):
        for slot, obuf, sem in bufs:
            j = len(bufs) * m + slot
            i0 = _CHUNK * j

            @pl.when(m >= 1)
            def _():
                drain(obuf, sem)

            for e in range(_CHUNK):
                process_element(obuf, i0 + e, e)
            pltpu.async_copy(
                obuf, out_hbm.at[:, pl.ds(base + i0, _CHUNK), :], sem)

        return carry

    lax.fori_loop(0, _EPB // (len(bufs) * _CHUNK), super_body, 0)
    for _, obuf, sem in bufs:
        drain(obuf, sem)


_BB = 256


def _tc_main_body(obj_ref, par_ref, tab_ref, out_ref):
    onehot = jnp.where(
        obj_ref[...] == lax.broadcasted_iota(jnp.int32, (1, _NOBJ), 1),
        1.0, 0.0)
    tab = tab_ref[...]
    for c in range(3):
        rf = par_ref[:, 9 + 3 * c:12 + 3 * c]
        t_c = par_ref[:, 18 + c:19 + c]
        cols = [onehot[:, o:o + 1] * rf for o in range(_NOBJ)]
        cols.append(t_c)
        cols.append(jnp.zeros_like(t_c))
        w = jnp.concatenate(cols, axis=1)
        out_ref[c, :, :] = jax.lax.dot_general(
            w, tab, (((1,), (0,)), ((), ())),
            precision=jax.lax.Precision.HIGHEST,
            preferred_element_type=jnp.float32)


@jax.jit
def kernel(angles, global_orient, transl, obj_idx, bottom_v, top_v):
    a_r = angles.reshape(32, 128)
    gt = global_orient.T
    tt = transl.T
    g0, g1, g2 = (gt[i].reshape(32, 128) for i in range(3))
    t0, t1, t2 = (tt[i].reshape(32, 128) for i in range(3))

    params3 = pl.pallas_call(
        _param_body,
        out_shape=jax.ShapeDtypeStruct((21, 32, 128), jnp.float32),
    )(a_r, g0, g1, g2, t0, t1, t2)
    params = params3.reshape(21, _B)

    idx = obj_idx.astype(jnp.int32)

    mesh = plsc.VectorSubcoreMesh(
        core_axis_name="c", subcore_axis_name="s",
        num_cores=_NC, num_subcores=_NS)

    sc_run = pl.kernel(
        functools.partial(_sc_body, 0),
        out_type=jax.ShapeDtypeStruct((3, _B, _V), jnp.float32),
        mesh=mesh,
        compiler_params=pltpu.CompilerParams(needs_layout_passes=False),
        scratch_types=[
            pltpu.VMEM((_NOBJ, 3, _V), jnp.float32),
            pltpu.VMEM((_EPB,), jnp.int32),
            pltpu.VMEM((21, _EPB), jnp.float32),
            pltpu.VMEM((3, _CHUNK, _V), jnp.float32),
            pltpu.VMEM((3, _CHUNK, _V), jnp.float32),
            pltpu.VMEM((3, _CHUNK, _V), jnp.float32),
            pltpu.VMEM((3, _CHUNK, _V), jnp.float32),
            pltpu.SemaphoreType.DMA,
            pltpu.SemaphoreType.DMA,
            pltpu.SemaphoreType.DMA,
            pltpu.SemaphoreType.DMA,
        ],
    )
    bv3 = sc_run(bottom_v.transpose(0, 2, 1), idx, params)

    par_bt = jnp.concatenate(
        [params.T, jnp.zeros((_B, 3), jnp.float32)], axis=1)
    tab32 = jnp.concatenate([
        top_v.transpose(0, 2, 1).reshape(3 * _NOBJ, _V),
        jnp.ones((1, _V), jnp.float32),
        jnp.zeros((1, _V), jnp.float32),
    ], axis=0)
    tv3 = pl.pallas_call(
        _tc_main_body,
        grid=(_B // _BB,),
        in_specs=[
            pl.BlockSpec((_BB, 1), lambda i: (i, 0)),
            pl.BlockSpec((_BB, 24), lambda i: (i, 0)),
            pl.BlockSpec((32, _V), lambda i: (0, 0)),
        ],
        out_specs=pl.BlockSpec((3, _BB, _V), lambda i: (0, i, 0)),
        out_shape=jax.ShapeDtypeStruct((3, _B, _V), jnp.float32),
    )(idx.reshape(_B, 1), par_bt, tab32)

    return jnp.transpose(bv3, (1, 2, 0)), jnp.transpose(tv3, (1, 2, 0))

# --- scband reference (transcript-rebuilt; emitter-appended) ---
"""Pipeline reference for scband-urdftensors-41626823033196 (READ-ONLY COPY).

The authoritative reference and input builder live on the scoring server;
editing this copy changes nothing except your own understanding.
"""

import jax, jax.numpy as jnp
import numpy as np

N_OBJ = 10
V = 2048
B = 4096


def axis_angle_to_quaternion(axis_angle):
    angles = jnp.linalg.norm(axis_angle, axis=-1, keepdims=True)
    half_angles = angles * 0.5
    eps = 1e-6
    small_angles = jnp.abs(angles) < eps
    safe_angles = jnp.where(small_angles, jnp.ones_like(angles), angles)
    sin_half_angles_over_angles = jnp.where(
        small_angles, 0.5 - (angles * angles) / 48.0, jnp.sin(half_angles) / safe_angles
    )
    return jnp.concatenate([jnp.cos(half_angles), axis_angle * sin_half_angles_over_angles], axis=-1)


def quaternion_raw_multiply(a, b):
    aw, ax, ay, az = a[..., 0], a[..., 1], a[..., 2], a[..., 3]
    bw, bx, by, bz = b[..., 0], b[..., 1], b[..., 2], b[..., 3]
    ow = aw * bw - ax * bx - ay * by - az * bz
    ox = aw * bx + ax * bw + ay * bz - az * by
    oy = aw * by - ax * bz + ay * bw + az * bx
    oz = aw * bz + ax * by - ay * bx + az * bw
    return jnp.stack([ow, ox, oy, oz], axis=-1)


def quaternion_invert(q):
    return q * jnp.array([1.0, -1.0, -1.0, -1.0], dtype=q.dtype)


def quaternion_apply(q, point):
    real = jnp.zeros(point.shape[:-1] + (1,), dtype=point.dtype)
    point_q = jnp.concatenate([real, point], axis=-1)
    out = quaternion_raw_multiply(quaternion_raw_multiply(q, point_q), quaternion_invert(q))
    return out[..., 1:]


def setup_inputs(seed: int = 0) -> dict:
    key = jax.random.key(seed)
    k1, k2, k3, k4, k5, k6 = jax.random.split(key, 6)
    angles = jax.random.normal(k1, (B, 1), dtype=jnp.float32)
    global_orient = jax.random.normal(k2, (B, 3), dtype=jnp.float32)
    transl = jax.random.normal(k3, (B, 3), dtype=jnp.float32)
    obj_idx = jax.random.randint(k4, (B,), 0, N_OBJ, dtype=jnp.int32)
    # padded per-object mesh vertex tables (buffers of the module)
    bottom_v = jax.random.normal(k5, (N_OBJ, V, 3), dtype=jnp.float32) * 0.1
    top_v = jax.random.normal(k6, (N_OBJ, V, 3), dtype=jnp.float32) * 0.1
    return {
        "angles": angles,
        "global_orient": global_orient,
        "transl": transl,
        "obj_idx": obj_idx,
        "bottom_v": bottom_v,
        "top_v": top_v,
    }


def reference(angles, global_orient, transl, obj_idx, bottom_v, top_v):
    # embedding-style gather of per-object vertex tables by query index
    bv = jnp.take(bottom_v, obj_idx, axis=0)  # [B, V, 3]
    tv = jnp.take(top_v, obj_idx, axis=0)  # [B, V, 3]
    z_axis = jnp.array([0.0, 0.0, -1.0], dtype=jnp.float32).reshape(1, 3)
    quat_arti = axis_angle_to_quaternion(z_axis * angles)  # [B, 4]
    quat_global = axis_angle_to_quaternion(global_orient.reshape(-1, 3))  # [B, 4]
    # articulation rotation applied to top part only
    tv = quaternion_apply(quat_arti[:, None, :], tv)
    # global rotation + translation applied to both parts
    tv = quaternion_apply(quat_global[:, None, :], tv) + transl[:, None, :]
    bv = quaternion_apply(quat_global[:, None, :], bv) + transl[:, None, :]
    return (bv, tv)

if __name__ == "__main__":
    import jax
    _d = setup_inputs()
    print(jax.jit(kernel)(*tuple(_d.values())))

</pallas_src>

<mosaic_0001>
#map = affine_map<(d0, d1) -> (0, 0, 0)>
#map1 = affine_map<(d0, d1) -> (0)>
#map2 = affine_map<(d0, d1) -> (0, 0)>
module attributes {stable_mosaic.version = 14 : i64} {
  func.func @_sc_body(%arg0: i32, %arg1: i32, %arg2: memref<10x3x2048xf32, #tpu.memory_space<hbm>>, %arg3: memref<4096xi32, #tpu.memory_space<hbm>>, %arg4: memref<21x4096xf32, #tpu.memory_space<hbm>>, %arg5: memref<3x4096x2048xf32, #tpu.memory_space<hbm>>, %arg6: memref<10x3x2048xf32, #tpu.memory_space<vmem>>, %arg7: memref<128xi32, #tpu.memory_space<vmem>>, %arg8: memref<21x128xf32, #tpu.memory_space<vmem>>, %arg9: memref<3x1x2048xf32, #tpu.memory_space<vmem>>, %arg10: memref<3x1x2048xf32, #tpu.memory_space<vmem>>, %arg11: memref<3x1x2048xf32, #tpu.memory_space<vmem>>, %arg12: memref<3x1x2048xf32, #tpu.memory_space<vmem>>, %arg13: memref<!tpu.dma_semaphore, #tpu.memory_space<semaphore_mem>>, %arg14: memref<!tpu.dma_semaphore, #tpu.memory_space<semaphore_mem>>, %arg15: memref<!tpu.dma_semaphore, #tpu.memory_space<semaphore_mem>>, %arg16: memref<!tpu.dma_semaphore, #tpu.memory_space<semaphore_mem>>) attributes {dimension_semantics = [#tpu.dimension_semantics<core_parallel>, #tpu.dimension_semantics<subcore_parallel>], iteration_bounds = array<i64: 2, 16>, scalar_prefetch = 0 : i64, scratch_operands = 11 : i64, tpu.core_type = #tpu.core_type<sc_vector_subcore>, window_params = [{transform_indices = #map}, {transform_indices = #map1}, {transform_indices = #map2}, {transform_indices = #map}]} {
    %mul3A = arith.constant 2 : i32
    %mul3A_0 = arith.muli %arg1, %mul3A : i32
    %add3A = arith.addi %mul3A_0, %arg0 : i32
    %mul3A_1 = arith.constant 128 : i32
    %mul3A_2 = arith.muli %add3A, %mul3A_1 : i32
    "tpu.region"() ({
      %run_scoped3A = tpu.sem_alloc : memref<!tpu.dma_semaphore, #tpu.memory_space<semaphore_mem>>
      tpu.enqueue_dma source(%arg2 : memref<10x3x2048xf32, #tpu.memory_space<hbm>>) target(%arg6 : memref<10x3x2048xf32, #tpu.memory_space<vmem>>) target_semaphore(%run_scoped3A : memref<!tpu.dma_semaphore, #tpu.memory_space<semaphore_mem>>)
      tpu.wait_dma2 semaphore(%run_scoped3A : memref<!tpu.dma_semaphore, #tpu.memory_space<semaphore_mem>>) src(%arg2 : memref<10x3x2048xf32, #tpu.memory_space<hbm>>) dst(%arg6 : memref<10x3x2048xf32, #tpu.memory_space<vmem>>)
      tpu.yield
    }) : () -> ()
    "tpu.region"() ({
      %run_scoped3A = tpu.sem_alloc : memref<!tpu.dma_semaphore, #tpu.memory_space<semaphore_mem>>
      %dma_start3A = tpu.memref_slice %arg3[%mul3A_2] : memref<4096xi32, #tpu.memory_space<hbm>> -> memref<128xi32, #tpu.memory_space<hbm>>
      %dma_start3A_39 = tpu.memref_slice %arg3[%mul3A_2] : memref<4096xi32, #tpu.memory_space<hbm>> -> memref<128xi32, #tpu.memory_space<hbm>>
      tpu.enqueue_dma source(%dma_start3A_39 : memref<128xi32, #tpu.memory_space<hbm>>) target(%arg7 : memref<128xi32, #tpu.memory_space<vmem>>) target_semaphore(%run_scoped3A : memref<!tpu.dma_semaphore, #tpu.memory_space<semaphore_mem>>)
      %dma_wait3A_40 = tpu.memref_slice %arg3[%mul3A_2] : memref<4096xi32, #tpu.memory_space<hbm>> -> memref<128xi32, #tpu.memory_space<hbm>>
      %dma_wait3A_41 = tpu.memref_slice %arg3[%mul3A_2] : memref<4096xi32, #tpu.memory_space<hbm>> -> memref<128xi32, #tpu.memory_space<hbm>>
      tpu.wait_dma2 semaphore(%run_scoped3A : memref<!tpu.dma_semaphore, #tpu.memory_space<semaphore_mem>>) src(%dma_wait3A_41 : memref<128xi32, #tpu.memory_space<hbm>>) dst(%arg7 : memref<128xi32, #tpu.memory_space<vmem>>)
      tpu.yield
    }) : () -> ()
    "tpu.region"() ({
      %run_scoped3A = tpu.sem_alloc : memref<!tpu.dma_semaphore, #tpu.memory_space<semaphore_mem>>
      %dma_start3A = arith.constant 0 : i32
      %dma_start3A_39 = tpu.memref_slice %arg4[%dma_start3A, %mul3A_2] : memref<21x4096xf32, #tpu.memory_space<hbm>> -> memref<21x128xf32, #tpu.memory_space<hbm>>
      %dma_start3A_40 = arith.constant 0 : i32
      %dma_start3A_41 = tpu.memref_slice %arg4[%dma_start3A_40, %mul3A_2] : memref<21x4096xf32, #tpu.memory_space<hbm>> -> memref<21x128xf32, #tpu.memory_space<hbm>>
      tpu.enqueue_dma source(%dma_start3A_41 : memref<21x128xf32, #tpu.memory_space<hbm>>) target(%arg8 : memref<21x128xf32, #tpu.memory_space<vmem>>) target_semaphore(%run_scoped3A : memref<!tpu.dma_semaphore, #tpu.memory_space<semaphore_mem>>)
      %dma_wait3A_42 = arith.constant 0 : i32
      %dma_wait3A_43 = tpu.memref_slice %arg4[%dma_wait3A_42, %mul3A_2] : memref<21x4096xf32, #tpu.memory_space<hbm>> -> memref<21x128xf32, #tpu.memory_space<hbm>>
      %dma_wait3A_44 = arith.constant 0 : i32
      %dma_wait3A_45 = tpu.memref_slice %arg4[%dma_wait3A_44, %mul3A_2] : memref<21x4096xf32, #tpu.memory_space<hbm>> -> memref<21x128xf32, #tpu.memory_space<hbm>>
      tpu.wait_dma2 semaphore(%run_scoped3A : memref<!tpu.dma_semaphore, #tpu.memory_space<semaphore_mem>>) src(%dma_wait3A_45 : memref<21x128xf32, #tpu.memory_space<hbm>>) dst(%arg8 : memref<21x128xf32, #tpu.memory_space<vmem>>)
      tpu.yield
    }) : () -> ()
    %scan3A = arith.constant 0 : i32
    %scan3A_3 = arith.constant 0 : i32
    %scan3A_4 = arith.constant 32 : i32
    %scan3A_5 = arith.addi %scan3A_3, %scan3A_4 : i32
    %scan3A_6 = arith.constant 1 : i32
    scf.for %scan3A_39 = %scan3A_3 to %scan3A_5 step %scan3A_6  : i32 {
      %mul3A_40 = arith.constant 4 : i32
      %mul3A_41 = arith.muli %mul3A_40, %scan3A_39 : i32
      %add3A_42 = arith.constant 0 : i32
      %add3A_43 = arith.addi %mul3A_41, %add3A_42 : i32
      %mul3A_44 = arith.constant 1 : i32
      %mul3A_45 = arith.muli %mul3A_44, %add3A_43 : i32
      %ge3A = arith.constant 1 : i32
      %ge3A_46 = arith.cmpi sge, %scan3A_39, %ge3A : i32
      %convert_element_type3A = arith.extui %ge3A_46 : i1 to i32
      %cond3A = arith.constant 0 : i32
      %cond3A_47 = arith.cmpi ne, %convert_element_type3A, %cond3A : i32
      scf.if %cond3A_47 {
        %dma_wait3A_312 = arith.constant 0 : i32
        %dma_wait3A_313 = arith.constant 0 : i32
        %dma_wait3A_314 = arith.constant 0 : i32
        %dma_wait3A_315 = tpu.memref_slice %arg5[%dma_wait3A_312, %dma_wait3A_313, %dma_wait3A_314] : memref<3x4096x2048xf32, #tpu.memory_space<hbm>> -> memref<3x1x2048xf32, #tpu.memory_space<hbm>>
        %dma_wait3A_316 = arith.constant 0 : i32
        %dma_wait3A_317 = arith.constant 0 : i32
        %dma_wait3A_318 = arith.constant 0 : i32
        %dma_wait3A_319 = tpu.memref_slice %arg5[%dma_wait3A_316, %dma_wait3A_317, %dma_wait3A_318] : memref<3x4096x2048xf32, #tpu.memory_space<hbm>> -> memref<3x1x2048xf32, #tpu.memory_space<hbm>>
        tpu.wait_dma2 semaphore(%arg13 : memref<!tpu.dma_semaphore, #tpu.memory_space<semaphore_mem>>) src(%arg9 : memref<3x1x2048xf32, #tpu.memory_space<vmem>>) dst(%dma_wait3A_319 : memref<3x1x2048xf32, #tpu.memory_space<hbm>>)
      } else {
      }
      %add3A_48 = arith.constant 0 : i32
      %add3A_49 = arith.addi %mul3A_45, %add3A_48 : i32
      %broadcast_in_dim3A = vector.broadcast %add3A_49 : i32 to vector<16xi32>
      %gather3A = tpu.vector_load_idx %arg7[%broadcast_in_dim3A] : memref<128xi32, #tpu.memory_space<vmem>>[vector<16xi32>], vector<16xi32>,
      %reduce_max3A = arith.constant true
      %reduce_max3A_50 = vector.broadcast %reduce_max3A : i1 to vector<16xi1>
      %reduce_max3A_51 = arith.constant -2147483648 : i32
      %reduce_max3A_52 = vector.broadcast %reduce_max3A_51 : i32 to vector<16xi32>
      %reduce_max3A_53 = arith.xori %gather3A, %reduce_max3A_52 : vector<16xi32>
      %reduce_max3A_54 = tpu.scan <max>, %reduce_max3A_53 masked %reduce_max3A_50 : vector<16xi32>, vector<16xi1> -> vector<16xi32>
      %reduce_max3A_55 = arith.xori %reduce_max3A_54, %reduce_max3A_52 : vector<16xi32>
      %reduce_max3A_56 = vector.extract %reduce_max3A_55[15] : i32 from vector<16xi32>
      %broadcast_in_dim3A_57 = vector.broadcast %add3A_49 : i32 to vector<16xi32>
      %broadcast_in_dim3A_58 = arith.constant 0 : i32
      %broadcast_in_dim3A_59 = vector.broadcast %broadcast_in_dim3A_58 : i32 to vector<16xi32>
      %gather3A_60 = tpu.vector_load_idx %arg8[%broadcast_in_dim3A_59, %broadcast_in_dim3A_57] : memref<21x128xf32, #tpu.memory_space<vmem>>[vector<16xi32>, vector<16xi32>], vector<16xf32>,
      %broadcast_in_dim3A_61 = arith.constant 1 : i32
      %broadcast_in_dim3A_62 = vector.broadcast %broadcast_in_dim3A_61 : i32 to vector<16xi32>
      %gather3A_63 = tpu.vector_load_idx %arg8[%broadcast_in_dim3A_62, %broadcast_in_dim3A_57] : memref<21x128xf32, #tpu.memory_space<vmem>>[vector<16xi32>, vector<16xi32>], vector<16xf32>,
      %broadcast_in_dim3A_64 = arith.constant 2 : i32
      %broadcast_in_dim3A_65 = vector.broadcast %broadcast_in_dim3A_64 : i32 to vector<16xi32>
      %gather3A_66 = tpu.vector_load_idx %arg8[%broadcast_in_dim3A_65, %broadcast_in_dim3A_57] : memref<21x128xf32, #tpu.memory_space<vmem>>[vector<16xi32>, vector<16xi32>], vector<16xf32>,
      %broadcast_in_dim3A_67 = arith.constant 3 : i32
      %broadcast_in_dim3A_68 = vector.broadcast %broadcast_in_dim3A_67 : i32 to vector<16xi32>
      %gather3A_69 = tpu.vector_load_idx %arg8[%broadcast_in_dim3A_68, %broadcast_in_dim3A_57] : memref<21x128xf32, #tpu.memory_space<vmem>>[vector<16xi32>, vector<16xi32>], vector<16xf32>,
      %broadcast_in_dim3A_70 = arith.constant 4 : i32
      %broadcast_in_dim3A_71 = vector.broadcast %broadcast_in_dim3A_70 : i32 to vector<16xi32>
      %gather3A_72 = tpu.vector_load_idx %arg8[%broadcast_in_dim3A_71, %broadcast_in_dim3A_57] : memref<21x128xf32, #tpu.memory_space<vmem>>[vector<16xi32>, vector<16xi32>], vector<16xf32>,
      %broadcast_in_dim3A_73 = arith.constant 5 : i32
      %broadcast_in_dim3A_74 = vector.broadcast %broadcast_in_dim3A_73 : i32 to vector<16xi32>
      %gather3A_75 = tpu.vector_load_idx %arg8[%broadcast_in_dim3A_74, %broadcast_in_dim3A_57] : memref<21x128xf32, #tpu.memory_space<vmem>>[vector<16xi32>, vector<16xi32>], vector<16xf32>,
      %broadcast_in_dim3A_76 = arith.constant 6 : i32
      %broadcast_in_dim3A_77 = vector.broadcast %broadcast_in_dim3A_76 : i32 to vector<16xi32>
      %gather3A_78 = tpu.vector_load_idx %arg8[%broadcast_in_dim3A_77, %broadcast_in_dim3A_57] : memref<21x128xf32, #tpu.memory_space<vmem>>[vector<16xi32>, vector<16xi32>], vector<16xf32>,
      %broadcast_in_dim3A_79 = arith.constant 7 : i32
      %broadcast_in_dim3A_80 = vector.broadcast %broadcast_in_dim3A_79 : i32 to vector<16xi32>
      %gather3A_81 = tpu.vector_load_idx %arg8[%broadcast_in_dim3A_80, %broadcast_in_dim3A_57] : memref<21x128xf32, #tpu.memory_space<vmem>>[vector<16xi32>, vector<16xi32>], vector<16xf32>,
      %broadcast_in_dim3A_82 = arith.constant 8 : i32
      %broadcast_in_dim3A_83 = vector.broadcast %broadcast_in_dim3A_82 : i32 to vector<16xi32>
      %gather3A_84 = tpu.vector_load_idx %arg8[%broadcast_in_dim3A_83, %broadcast_in_dim3A_57] : memref<21x128xf32, #tpu.memory_space<vmem>>[vector<16xi32>, vector<16xi32>], vector<16xf32>,
      %broadcast_in_dim3A_85 = arith.constant 18 : i32
      %broadcast_in_dim3A_86 = vector.broadcast %broadcast_in_dim3A_85 : i32 to vector<16xi32>
      %gather3A_87 = tpu.vector_load_idx %arg8[%broadcast_in_dim3A_86, %broadcast_in_dim3A_57] : memref<21x128xf32, #tpu.memory_space<vmem>>[vector<16xi32>, vector<16xi32>], vector<16xf32>,
      %broadcast_in_dim3A_88 = arith.constant 19 : i32
      %broadcast_in_dim3A_89 = vector.broadcast %broadcast_in_dim3A_88 : i32 to vector<16xi32>
      %gather3A_90 = tpu.vector_load_idx %arg8[%broadcast_in_dim3A_89, %broadcast_in_dim3A_57] : memref<21x128xf32, #tpu.memory_space<vmem>>[vector<16xi32>, vector<16xi32>], vector<16xf32>,
      %broadcast_in_dim3A_91 = arith.constant 20 : i32
      %broadcast_in_dim3A_92 = vector.broadcast %broadcast_in_dim3A_91 : i32 to vector<16xi32>
      %gather3A_93 = tpu.vector_load_idx %arg8[%broadcast_in_dim3A_92, %broadcast_in_dim3A_57] : memref<21x128xf32, #tpu.memory_space<vmem>>[vector<16xi32>, vector<16xi32>], vector<16xf32>,
      %parallel_loop3A = arith.constant 0 : i32
      %parallel_loop3A_94 = arith.constant 128 : i32
      %parallel_loop3A_95 = arith.constant 1 : i32
      scf.for %parallel_loop3A_312 = %parallel_loop3A to %parallel_loop3A_94 step %parallel_loop3A_95  : i32 {
        %parallel_loop3A_313 = arith.constant 16 : i32
        %parallel_loop3A_314 = arith.muli %parallel_loop3A_312, %parallel_loop3A_313 : i32
        %parallel_loop3A_315 = arith.constant 0 : i32
        %parallel_loop3A_316 = arith.index_cast %reduce_max3A_56 : i32 to index
        %parallel_loop3A_317 = arith.index_cast %parallel_loop3A_315 : i32 to index
        %parallel_loop3A_318 = arith.index_cast %parallel_loop3A_314 : i32 to index
        %parallel_loop3A_319 = tpu.vector_load %arg6[%parallel_loop3A_316, %parallel_loop3A_317, %parallel_loop3A_318] {strides = array<i32>} : memref<10x3x2048xf32, #tpu.memory_space<vmem>>, vector<16xf32>,
        %parallel_loop3A_320 = arith.constant 1 : i32
        %parallel_loop3A_321 = arith.index_cast %reduce_max3A_56 : i32 to index
        %parallel_loop3A_322 = arith.index_cast %parallel_loop3A_320 : i32 to index
        %parallel_loop3A_323 = arith.index_cast %parallel_loop3A_314 : i32 to index
        %parallel_loop3A_324 = tpu.vector_load %arg6[%parallel_loop3A_321, %parallel_loop3A_322, %parallel_loop3A_323] {strides = array<i32>} : memref<10x3x2048xf32, #tpu.memory_space<vmem>>, vector<16xf32>,
        %parallel_loop3A_325 = arith.constant 2 : i32
        %parallel_loop3A_326 = arith.index_cast %reduce_max3A_56 : i32 to index
        %parallel_loop3A_327 = arith.index_cast %parallel_loop3A_325 : i32 to index
        %parallel_loop3A_328 = arith.index_cast %parallel_loop3A_314 : i32 to index
        %parallel_loop3A_329 = tpu.vector_load %arg6[%parallel_loop3A_326, %parallel_loop3A_327, %parallel_loop3A_328] {strides = array<i32>} : memref<10x3x2048xf32, #tpu.memory_space<vmem>>, vector<16xf32>,
        %parallel_loop3A_330 = arith.mulf %gather3A_60, %parallel_loop3A_319 : vector<16xf32>
        %parallel_loop3A_331 = arith.mulf %gather3A_63, %parallel_loop3A_324 : vector<16xf32>
        %parallel_loop3A_332 = arith.addf %parallel_loop3A_330, %parallel_loop3A_331 : vector<16xf32>
        %parallel_loop3A_333 = arith.mulf %gather3A_66, %parallel_loop3A_329 : vector<16xf32>
        %parallel_loop3A_334 = arith.addf %parallel_loop3A_332, %parallel_loop3A_333 : vector<16xf32>
        %parallel_loop3A_335 = arith.addf %parallel_loop3A_334, %gather3A_87 : vector<16xf32>
        %parallel_loop3A_336 = arith.constant 0 : i32
        %parallel_loop3A_337 = arith.constant 0 : i32
        %parallel_loop3A_338 = arith.index_cast %parallel_loop3A_336 : i32 to index
        %parallel_loop3A_339 = arith.index_cast %parallel_loop3A_337 : i32 to index
        %parallel_loop3A_340 = arith.index_cast %parallel_loop3A_314 : i32 to index
        %parallel_loop3A_341 = tpu.vector_load %arg9[%parallel_loop3A_338, %parallel_loop3A_339, %parallel_loop3A_340] {strides = array<i32>} : memref<3x1x2048xf32, #tpu.memory_space<vmem>>, vector<16xf32>,
        tpu.vector_store %arg9[%parallel_loop3A_338, %parallel_loop3A_339, %parallel_loop3A_340], %parallel_loop3A_335 {strides = array<i32>} : memref<3x1x2048xf32, #tpu.memory_space<vmem>>, vector<16xf32>,
        %parallel_loop3A_342 = arith.mulf %gather3A_69, %parallel_loop3A_319 : vector<16xf32>
        %parallel_loop3A_343 = arith.mulf %gather3A_72, %parallel_loop3A_324 : vector<16xf32>
        %parallel_loop3A_344 = arith.addf %parallel_loop3A_342, %parallel_loop3A_343 : vector<16xf32>
        %parallel_loop3A_345 = arith.mulf %gather3A_75, %parallel_loop3A_329 : vector<16xf32>
        %parallel_loop3A_346 = arith.addf %parallel_loop3A_344, %parallel_loop3A_345 : vector<16xf32>
        %parallel_loop3A_347 = arith.addf %parallel_loop3A_346, %gather3A_90 : vector<16xf32>
        %parallel_loop3A_348 = arith.constant 1 : i32
        %parallel_loop3A_349 = arith.constant 0 : i32
        %parallel_loop3A_350 = arith.index_cast %parallel_loop3A_348 : i32 to index
        %parallel_loop3A_351 = arith.index_cast %parallel_loop3A_349 : i32 to index
        %parallel_loop3A_352 = arith.index_cast %parallel_loop3A_314 : i32 to index
        %parallel_loop3A_353 = tpu.vector_load %arg9[%parallel_loop3A_350, %parallel_loop3A_351, %parallel_loop3A_352] {strides = array<i32>} : memref<3x1x2048xf32, #tpu.memory_space<vmem>>, vector<16xf32>,
        tpu.vector_store %arg9[%parallel_loop3A_350, %parallel_loop3A_351, %parallel_loop3A_352], %parallel_loop3A_347 {strides = array<i32>} : memref<3x1x2048xf32, #tpu.memory_space<vmem>>, vector<16xf32>,
        %parallel_loop3A_354 = arith.mulf %gather3A_78, %parallel_loop3A_319 : vector<16xf32>
        %parallel_loop3A_355 = arith.mulf %gather3A_81, %parallel_loop3A_324 : vector<16xf32>
        %parallel_loop3A_356 = arith.addf %parallel_loop3A_354, %parallel_loop3A_355 : vector<16xf32>
        %parallel_loop3A_357 = arith.mulf %gather3A_84, %parallel_loop3A_329 : vector<16xf32>
        %parallel_loop3A_358 = arith.addf %parallel_loop3A_356, %parallel_loop3A_357 : vector<16xf32>
        %parallel_loop3A_359 = arith.addf %parallel_loop3A_358, %gather3A_93 : vector<16xf32>
        %parallel_loop3A_360 = arith.constant 2 : i32
        %parallel_loop3A_361 = arith.constant 0 : i32
        %parallel_loop3A_362 = arith.index_cast %parallel_loop3A_360 : i32 to index
        %parallel_loop3A_363 = arith.index_cast %parallel_loop3A_361 : i32 to index
        %parallel_loop3A_364 = arith.index_cast %parallel_loop3A_314 : i32 to index
        %parallel_loop3A_365 = tpu.vector_load %arg9[%parallel_loop3A_362, %parallel_loop3A_363, %parallel_loop3A_364] {strides = array<i32>} : memref<3x1x2048xf32, #tpu.memory_space<vmem>>, vector<16xf32>,
        tpu.vector_store %arg9[%parallel_loop3A_362, %parallel_loop3A_363, %parallel_loop3A_364], %parallel_loop3A_359 {strides = array<i32>} : memref<3x1x2048xf32, #tpu.memory_space<vmem>>, vector<16xf32>,
      } {sc.loop_unroll_factor = 4 : i64, sc.parallel_access}
      %add3A_96 = arith.addi %mul3A_2, %mul3A_45 : i32
      %dma_start3A = arith.constant 0 : i32
      %dma_start3A_97 = arith.constant 0 : i32
      %dma_start3A_98 = tpu.memref_slice %arg5[%dma_start3A, %add3A_96, %dma_start3A_97] : memref<3x4096x2048xf32, #tpu.memory_space<hbm>> -> memref<3x1x2048xf32, #tpu.memory_space<hbm>>
      %dma_start3A_99 = arith.constant 0 : i32
      %dma_start3A_100 = arith.constant 0 : i32
      %dma_start3A_101 = tpu.memref_slice %arg5[%dma_start3A_99, %add3A_96, %dma_start3A_100] : memref<3x4096x2048xf32, #tpu.memory_space<hbm>> -> memref<3x1x2048xf32, #tpu.memory_space<hbm>>
      tpu.enqueue_dma source(%arg9 : memref<3x1x2048xf32, #tpu.memory_space<vmem>>) target(%dma_start3A_101 : memref<3x1x2048xf32, #tpu.memory_space<hbm>>) target_semaphore(%arg13 : memref<!tpu.dma_semaphore, #tpu.memory_space<semaphore_mem>>)
      %mul3A_102 = arith.constant 4 : i32
      %mul3A_103 = arith.muli %mul3A_102, %scan3A_39 : i32
      %add3A_104 = arith.constant 1 : i32
      %add3A_105 = arith.addi %mul3A_103, %add3A_104 : i32
      %mul3A_106 = arith.constant 1 : i32
      %mul3A_107 = arith.muli %mul3A_106, %add3A_105 : i32
      %ge3A_108 = arith.constant 1 : i32
      %ge3A_109 = arith.cmpi sge, %scan3A_39, %ge3A_108 : i32
      %convert_element_type3A_110 = arith.extui %ge3A_109 : i1 to i32
      %cond3A_111 = arith.constant 0 : i32
      %cond3A_112 = arith.cmpi ne, %convert_element_type3A_110, %cond3A_111 : i32
      scf.if %cond3A_112 {
        %dma_wait3A_312 = arith.constant 0 : i32
        %dma_wait3A_313 = arith.constant 0 : i32
        %dma_wait3A_314 = arith.constant 0 : i32
        %dma_wait3A_315 = tpu.memref_slice %arg5[%dma_wait3A_312, %dma_wait3A_313, %dma_wait3A_314] : memref<3x4096x2048xf32, #tpu.memory_space<hbm>> -> memref<3x1x2048xf32, #tpu.memory_space<hbm>>
        %dma_wait3A_316 = arith.constant 0 : i32
        %dma_wait3A_317 = arith.constant 0 : i32
        %dma_wait3A_318 = arith.constant 0 : i32
        %dma_wait3A_319 = tpu.memref_slice %arg5[%dma_wait3A_316, %dma_wait3A_317, %dma_wait3A_318] : memref<3x4096x2048xf32, #tpu.memory_space<hbm>> -> memref<3x1x2048xf32, #tpu.memory_space<hbm>>
        tpu.wait_dma2 semaphore(%arg14 : memref<!tpu.dma_semaphore, #tpu.memory_space<semaphore_mem>>) src(%arg10 : memref<3x1x2048xf32, #tpu.memory_space<vmem>>) dst(%dma_wait3A_319 : memref<3x1x2048xf32, #tpu.memory_space<hbm>>)
      } else {
      }
      %add3A_113 = arith.constant 0 : i32
      %add3A_114 = arith.addi %mul3A_107, %add3A_113 : i32
      %broadcast_in_dim3A_115 = vector.broadcast %add3A_114 : i32 to vector<16xi32>
      %gather3A_116 = tpu.vector_load_idx %arg7[%broadcast_in_dim3A_115] : memref<128xi32, #tpu.memory_space<vmem>>[vector<16xi32>], vector<16xi32>,
      %reduce_max3A_117 = arith.constant true
      %reduce_max3A_118 = vector.broadcast %reduce_max3A_117 : i1 to vector<16xi1>
      %reduce_max3A_119 = arith.constant -2147483648 : i32
      %reduce_max3A_120 = vector.broadcast %reduce_max3A_119 : i32 to vector<16xi32>
      %reduce_max3A_121 = arith.xori %gather3A_116, %reduce_max3A_120 : vector<16xi32>
      %reduce_max3A_122 = tpu.scan <max>, %reduce_max3A_121 masked %reduce_max3A_118 : vector<16xi32>, vector<16xi1> -> vector<16xi32>
      %reduce_max3A_123 = arith.xori %reduce_max3A_122, %reduce_max3A_120 : vector<16xi32>
      %reduce_max3A_124 = vector.extract %reduce_max3A_123[15] : i32 from vector<16xi32>
      %broadcast_in_dim3A_125 = vector.broadcast %add3A_114 : i32 to vector<16xi32>
      %broadcast_in_dim3A_126 = arith.constant 0 : i32
      %broadcast_in_dim3A_127 = vector.broadcast %broadcast_in_dim3A_126 : i32 to vector<16xi32>
      %gather3A_128 = tpu.vector_load_idx %arg8[%broadcast_in_dim3A_127, %broadcast_in_dim3A_125] : memref<21x128xf32, #tpu.memory_space<vmem>>[vector<16xi32>, vector<16xi32>], vector<16xf32>,
      %broadcast_in_dim3A_129 = arith.constant 1 : i32
      %broadcast_in_dim3A_130 = vector.broadcast %broadcast_in_dim3A_129 : i32 to vector<16xi32>
      %gather3A_131 = tpu.vector_load_idx %arg8[%broadcast_in_dim3A_130, %broadcast_in_dim3A_125] : memref<21x128xf32, #tpu.memory_space<vmem>>[vector<16xi32>, vector<16xi32>], vector<16xf32>,
      %broadcast_in_dim3A_132 = arith.constant 2 : i32
      %broadcast_in_dim3A_133 = vector.broadcast %broadcast_in_dim3A_132 : i32 to vector<16xi32>
      %gather3A_134 = tpu.vector_load_idx %arg8[%broadcast_in_dim3A_133, %broadcast_in_dim3A_125] : memref<21x128xf32, #tpu.memory_space<vmem>>[vector<16xi32>, vector<16xi32>], vector<16xf32>,
      %broadcast_in_dim3A_135 = arith.constant 3 : i32
      %broadcast_in_dim3A_136 = vector.broadcast %broadcast_in_dim3A_135 : i32 to vector<16xi32>
      %gather3A_137 = tpu.vector_load_idx %arg8[%broadcast_in_dim3A_136, %broadcast_in_dim3A_125] : memref<21x128xf32, #tpu.memory_space<vmem>>[vector<16xi32>, vector<16xi32>], vector<16xf32>,
      %broadcast_in_dim3A_138 = arith.constant 4 : i32
      %broadcast_in_dim3A_139 = vector.broadcast %broadcast_in_dim3A_138 : i32 to vector<16xi32>
      %gather3A_140 = tpu.vector_load_idx %arg8[%broadcast_in_dim3A_139, %broadcast_in_dim3A_125] : memref<21x128xf32, #tpu.memory_space<vmem>>[vector<16xi32>, vector<16xi32>], vector<16xf32>,
      %broadcast_in_dim3A_141 = arith.constant 5 : i32
      %broadcast_in_dim3A_142 = vector.broadcast %broadcast_in_dim3A_141 : i32 to vector<16xi32>
      %gather3A_143 = tpu.vector_load_idx %arg8[%broadcast_in_dim3A_142, %broadcast_in_dim3A_125] : memref<21x128xf32, #tpu.memory_space<vmem>>[vector<16xi32>, vector<16xi32>], vector<16xf32>,
      %broadcast_in_dim3A_144 = arith.constant 6 : i32
      %broadcast_in_dim3A_145 = vector.broadcast %broadcast_in_dim3A_144 : i32 to vector<16xi32>
      %gather3A_146 = tpu.vector_load_idx %arg8[%broadcast_in_dim3A_145, %broadcast_in_dim3A_125] : memref<21x128xf32, #tpu.memory_space<vmem>>[vector<16xi32>, vector<16xi32>], vector<16xf32>,
      %broadcast_in_dim3A_147 = arith.constant 7 : i32
      %broadcast_in_dim3A_148 = vector.broadcast %broadcast_in_dim3A_147 : i32 to vector<16xi32>
      %gather3A_149 = tpu.vector_load_idx %arg8[%broadcast_in_dim3A_148, %broadcast_in_dim3A_125] : memref<21x128xf32, #tpu.memory_space<vmem>>[vector<16xi32>, vector<16xi32>], vector<16xf32>,
      %broadcast_in_dim3A_150 = arith.constant 8 : i32
      %broadcast_in_dim3A_151 = vector.broadcast %broadcast_in_dim3A_150 : i32 to vector<16xi32>
      %gather3A_152 = tpu.vector_load_idx %arg8[%broadcast_in_dim3A_151, %broadcast_in_dim3A_125] : memref<21x128xf32, #tpu.memory_space<vmem>>[vector<16xi32>, vector<16xi32>], vector<16xf32>,
      %broadcast_in_dim3A_153 = arith.constant 18 : i32
      %broadcast_in_dim3A_154 = vector.broadcast %broadcast_in_dim3A_153 : i32 to vector<16xi32>
      %gather3A_155 = tpu.vector_load_idx %arg8[%broadcast_in_dim3A_154, %broadcast_in_dim3A_125] : memref<21x128xf32, #tpu.memory_space<vmem>>[vector<16xi32>, vector<16xi32>], vector<16xf32>,
      %broadcast_in_dim3A_156 = arith.constant 19 : i32
      %broadcast_in_dim3A_157 = vector.broadcast %broadcast_in_dim3A_156 : i32 to vector<16xi32>
      %gather3A_158 = tpu.vector_load_idx %arg8[%broadcast_in_dim3A_157, %broadcast_in_dim3A_125] : memref<21x128xf32, #tpu.memory_space<vmem>>[vector<16xi32>, vector<16xi32>], vector<16xf32>,
      %broadcast_in_dim3A_159 = arith.constant 20 : i32
      %broadcast_in_dim3A_160 = vector.broadcast %broadcast_in_dim3A_159 : i32 to vector<16xi32>
      %gather3A_161 = tpu.vector_load_idx %arg8[%broadcast_in_dim3A_160, %broadcast_in_dim3A_125] : memref<21x128xf32, #tpu.memory_space<vmem>>[vector<16xi32>, vector<16xi32>], vector<16xf32>,
      %parallel_loop3A_162 = arith.constant 0 : i32
      %parallel_loop3A_163 = arith.constant 128 : i32
      %parallel_loop3A_164 = arith.constant 1 : i32
      scf.for %parallel_loop3A_312 = %parallel_loop3A_162 to %parallel_loop3A_163 step %parallel_loop3A_164  : i32 {
        %parallel_loop3A_313 = arith.constant 16 : i32
        %parallel_loop3A_314 = arith.muli %parallel_loop3A_312, %parallel_loop3A_313 : i32
        %parallel_loop3A_315 = arith.constant 0 : i32
        %parallel_loop3A_316 = arith.index_cast %reduce_max3A_124 : i32 to index
        %parallel_loop3A_317 = arith.index_cast %parallel_loop3A_315 : i32 to index
        %parallel_loop3A_318 = arith.index_cast %parallel_loop3A_314 : i32 to index
        %parallel_loop3A_319 = tpu.vector_load %arg6[%parallel_loop3A_316, %parallel_loop3A_317, %parallel_loop3A_318] {strides = array<i32>} : memref<10x3x2048xf32, #tpu.memory_space<vmem>>, vector<16xf32>,
        %parallel_loop3A_320 = arith.constant 1 : i32
        %parallel_loop3A_321 = arith.index_cast %reduce_max3A_124 : i32 to index
        %parallel_loop3A_322 = arith.index_cast %parallel_loop3A_320 : i32 to index
        %parallel_loop3A_323 = arith.index_cast %parallel_loop3A_314 : i32 to index
        %parallel_loop3A_324 = tpu.vector_load %arg6[%parallel_loop3A_321, %parallel_loop3A_322, %parallel_loop3A_323] {strides = array<i32>} : memref<10x3x2048xf32, #tpu.memory_space<vmem>>, vector<16xf32>,
        %parallel_loop3A_325 = arith.constant 2 : i32
        %parallel_loop3A_326 = arith.index_cast %reduce_max3A_124 : i32 to index
        %parallel_loop3A_327 = arith.index_cast %parallel_loop3A_325 : i32 to index
        %parallel_loop3A_328 = arith.index_cast %parallel_loop3A_314 : i32 to index
        %parallel_loop3A_329 = tpu.vector_load %arg6[%parallel_loop3A_326, %parallel_loop3A_327, %parallel_loop3A_328] {strides = array<i32>} : memref<10x3x2048xf32, #tpu.memory_space<vmem>>, vector<16xf32>,
        %parallel_loop3A_330 = arith.mulf %gather3A_128, %parallel_loop3A_319 : vector<16xf32>
        %parallel_loop3A_331 = arith.mulf %gather3A_131, %parallel_loop3A_324 : vector<16xf32>
        %parallel_loop3A_332 = arith.addf %parallel_loop3A_330, %parallel_loop3A_331 : vector<16xf32>
        %parallel_loop3A_333 = arith.mulf %gather3A_134, %parallel_loop3A_329 : vector<16xf32>
        %parallel_loop3A_334 = arith.addf %parallel_loop3A_332, %parallel_loop3A_333 : vector<16xf32>
        %parallel_loop3A_335 = arith.addf %parallel_loop3A_334, %gather3A_155 : vector<16xf32>
        %parallel_loop3A_336 = arith.constant 0 : i32
        %parallel_loop3A_337 = arith.constant 0 : i32
        %parallel_loop3A_338 = arith.index_cast %parallel_loop3A_336 : i32 to index
        %parallel_loop3A_339 = arith.index_cast %parallel_loop3A_337 : i32 to index
        %parallel_loop3A_340 = arith.index_cast %parallel_loop3A_314 : i32 to index
        %parallel_loop3A_341 = tpu.vector_load %arg10[%parallel_loop3A_338, %parallel_loop3A_339, %parallel_loop3A_340] {strides = array<i32>} : memref<3x1x2048xf32, #tpu.memory_space<vmem>>, vector<16xf32>,
        tpu.vector_store %arg10[%parallel_loop3A_338, %parallel_loop3A_339, %parallel_loop3A_340], %parallel_loop3A_335 {strides = array<i32>} : memref<3x1x2048xf32, #tpu.memory_space<vmem>>, vector<16xf32>,
        %parallel_loop3A_342 = arith.mulf %gather3A_137, %parallel_loop3A_319 : vector<16xf32>
        %parallel_loop3A_343 = arith.mulf %gather3A_140, %parallel_loop3A_324 : vector<16xf32>
        %parallel_loop3A_344 = arith.addf %parallel_loop3A_342, %parallel_loop3A_343 : vector<16xf32>
        %parallel_loop3A_345 = arith.mulf %gather3A_143, %parallel_loop3A_329 : vector<16xf32>
        %parallel_loop3A_346 = arith.addf %parallel_loop3A_344, %parallel_loop3A_345 : vector<16xf32>
        %parallel_loop3A_347 = arith.addf %parallel_loop3A_346, %gather3A_158 : vector<16xf32>
        %parallel_loop3A_348 = arith.constant 1 : i32
        %parallel_loop3A_349 = arith.constant 0 : i32
        %parallel_loop3A_350 = arith.index_cast %parallel_loop3A_348 : i32 to index
        %parallel_loop3A_351 = arith.index_cast %parallel_loop3A_349 : i32 to index
        %parallel_loop3A_352 = arith.index_cast %parallel_loop3A_314 : i32 to index
        %parallel_loop3A_353 = tpu.vector_load %arg10[%parallel_loop3A_350, %parallel_loop3A_351, %parallel_loop3A_352] {strides = array<i32>} : memref<3x1x2048xf32, #tpu.memory_space<vmem>>, vector<16xf32>,
        tpu.vector_store %arg10[%parallel_loop3A_350, %parallel_loop3A_351, %parallel_loop3A_352], %parallel_loop3A_347 {strides = array<i32>} : memref<3x1x2048xf32, #tpu.memory_space<vmem>>, vector<16xf32>,
        %parallel_loop3A_354 = arith.mulf %gather3A_146, %parallel_loop3A_319 : vector<16xf32>
        %parallel_loop3A_355 = arith.mulf %gather3A_149, %parallel_loop3A_324 : vector<16xf32>
        %parallel_loop3A_356 = arith.addf %parallel_loop3A_354, %parallel_loop3A_355 : vector<16xf32>
        %parallel_loop3A_357 = arith.mulf %gather3A_152, %parallel_loop3A_329 : vector<16xf32>
        %parallel_loop3A_358 = arith.addf %parallel_loop3A_356, %parallel_loop3A_357 : vector<16xf32>
        %parallel_loop3A_359 = arith.addf %parallel_loop3A_358, %gather3A_161 : vector<16xf32>
        %parallel_loop3A_360 = arith.constant 2 : i32
        %parallel_loop3A_361 = arith.constant 0 : i32
        %parallel_loop3A_362 = arith.index_cast %parallel_loop3A_360 : i32 to index
        %parallel_loop3A_363 = arith.index_cast %parallel_loop3A_361 : i32 to index
        %parallel_loop3A_364 = arith.index_cast %parallel_loop3A_314 : i32 to index
        %parallel_loop3A_365 = tpu.vector_load %arg10[%parallel_loop3A_362, %parallel_loop3A_363, %parallel_loop3A_364] {strides = array<i32>} : memref<3x1x2048xf32, #tpu.memory_space<vmem>>, vector<16xf32>,
        tpu.vector_store %arg10[%parallel_loop3A_362, %parallel_loop3A_363, %parallel_loop3A_364], %parallel_loop3A_359 {strides = array<i32>} : memref<3x1x2048xf32, #tpu.memory_space<vmem>>, vector<16xf32>,
      } {sc.loop_unroll_factor = 4 : i64, sc.parallel_access}
      %add3A_165 = arith.addi %mul3A_2, %mul3A_107 : i32
      %dma_start3A_166 = arith.constant 0 : i32
      %dma_start3A_167 = arith.constant 0 : i32
      %dma_start3A_168 = tpu.memref_slice %arg5[%dma_start3A_166, %add3A_165, %dma_start3A_167] : memref<3x4096x2048xf32, #tpu.memory_space<hbm>> -> memref<3x1x2048xf32, #tpu.memory_space<hbm>>
      %dma_start3A_169 = arith.constant 0 : i32
      %dma_start3A_170 = arith.constant 0 : i32
      %dma_start3A_171 = tpu.memref_slice %arg5[%dma_start3A_169, %add3A_165, %dma_start3A_170] : memref<3x4096x2048xf32, #tpu.memory_space<hbm>> -> memref<3x1x2048xf32, #tpu.memory_space<hbm>>
      tpu.enqueue_dma source(%arg10 : memref<3x1x2048xf32, #tpu.memory_space<vmem>>) target(%dma_start3A_171 : memref<3x1x2048xf32, #tpu.memory_space<hbm>>) target_semaphore(%arg14 : memref<!tpu.dma_semaphore, #tpu.memory_space<semaphore_mem>>)
      %mul3A_172 = arith.constant 4 : i32
      %mul3A_173 = arith.muli %mul3A_172, %scan3A_39 : i32
      %add3A_174 = arith.constant 2 : i32
      %add3A_175 = arith.addi %mul3A_173, %add3A_174 : i32
      %mul3A_176 = arith.constant 1 : i32
      %mul3A_177 = arith.muli %mul3A_176, %add3A_175 : i32
      %ge3A_178 = arith.constant 1 : i32
      %ge3A_179 = arith.cmpi sge, %scan3A_39, %ge3A_178 : i32
      %convert_element_type3A_180 = arith.extui %ge3A_179 : i1 to i32
      %cond3A_181 = arith.constant 0 : i32
      %cond3A_182 = arith.cmpi ne, %convert_element_type3A_180, %cond3A_181 : i32
      scf.if %cond3A_182 {
        %dma_wait3A_312 = arith.constant 0 : i32
        %dma_wait3A_313 = arith.constant 0 : i32
        %dma_wait3A_314 = arith.constant 0 : i32
        %dma_wait3A_315 = tpu.memref_slice %arg5[%dma_wait3A_312, %dma_wait3A_313, %dma_wait3A_314] : memref<3x4096x2048xf32, #tpu.memory_space<hbm>> -> memref<3x1x2048xf32, #tpu.memory_space<hbm>>
        %dma_wait3A_316 = arith.constant 0 : i32
        %dma_wait3A_317 = arith.constant 0 : i32
        %dma_wait3A_318 = arith.constant 0 : i32
        %dma_wait3A_319 = tpu.memref_slice %arg5[%dma_wait3A_316, %dma_wait3A_317, %dma_wait3A_318] : memref<3x4096x2048xf32, #tpu.memory_space<hbm>> -> memref<3x1x2048xf32, #tpu.memory_space<hbm>>
        tpu.wait_dma2 semaphore(%arg15 : memref<!tpu.dma_semaphore, #tpu.memory_space<semaphore_mem>>) src(%arg11 : memref<3x1x2048xf32, #tpu.memory_space<vmem>>) dst(%dma_wait3A_319 : memref<3x1x2048xf32, #tpu.memory_space<hbm>>)
      } else {
      }
      %add3A_183 = arith.constant 0 : i32
      %add3A_184 = arith.addi %mul3A_177, %add3A_183 : i32
      %broadcast_in_dim3A_185 = vector.broadcast %add3A_184 : i32 to vector<16xi32>
      %gather3A_186 = tpu.vector_load_idx %arg7[%broadcast_in_dim3A_185] : memref<128xi32, #tpu.memory_space<vmem>>[vector<16xi32>], vector<16xi32>,
      %reduce_max3A_187 = arith.constant true
      %reduce_max3A_188 = vector.broadcast %reduce_max3A_187 : i1 to vector<16xi1>
      %reduce_max3A_189 = arith.constant -2147483648 : i32
      %reduce_max3A_190 = vector.broadcast %reduce_max3A_189 : i32 to vector<16xi32>
      %reduce_max3A_191 = arith.xori %gather3A_186, %reduce_max3A_190 : vector<16xi32>
      %reduce_max3A_192 = tpu.scan <max>, %reduce_max3A_191 masked %reduce_max3A_188 : vector<16xi32>, vector<16xi1> -> vector<16xi32>
      %reduce_max3A_193 = arith.xori %reduce_max3A_192, %reduce_max3A_190 : vector<16xi32>
      %reduce_max3A_194 = vector.extract %reduce_max3A_193[15] : i32 from vector<16xi32>
      %broadcast_in_dim3A_195 = vector.broadcast %add3A_184 : i32 to vector<16xi32>
      %broadcast_in_dim3A_196 = arith.constant 0 : i32
      %broadcast_in_dim3A_197 = vector.broadcast %broadcast_in_dim3A_196 : i32 to vector<16xi32>
      %gather3A_198 = tpu.vector_load_idx %arg8[%broadcast_in_dim3A_197, %broadcast_in_dim3A_195] : memref<21x128xf32, #tpu.memory_space<vmem>>[vector<16xi32>, vector<16xi32>], vector<16xf32>,
      %broadcast_in_dim3A_199 = arith.constant 1 : i32
      %broadcast_in_dim3A_200 = vector.broadcast %broadcast_in_dim3A_199 : i32 to vector<16xi32>
      %gather3A_201 = tpu.vector_load_idx %arg8[%broadcast_in_dim3A_200, %broadcast_in_dim3A_195] : memref<21x128xf32, #tpu.memory_space<vmem>>[vector<16xi32>, vector<16xi32>], vector<16xf32>,
      %broadcast_in_dim3A_202 = arith.constant 2 : i32
      %broadcast_in_dim3A_203 = vector.broadcast %broadcast_in_dim3A_202 : i32 to vector<16xi32>
      %gather3A_204 = tpu.vector_load_idx %arg8[%broadcast_in_dim3A_203, %broadcast_in_dim3A_195] : memref<21x128xf32, #tpu.memory_space<vmem>>[vector<16xi32>, vector<16xi32>], vector<16xf32>,
      %broadcast_in_dim3A_205 = arith.constant 3 : i32
      %broadcast_in_dim3A_206 = vector.broadcast %broadcast_in_dim3A_205 : i32 to vector<16xi32>
      %gather3A_207 = tpu.vector_load_idx %arg8[%broadcast_in_dim3A_206, %broadcast_in_dim3A_195] : memref<21x128xf32, #tpu.memory_space<vmem>>[vector<16xi32>, vector<16xi32>], vector<16xf32>,
      %broadcast_in_dim3A_208 = arith.constant 4 : i32
      %broadcast_in_dim3A_209 = vector.broadcast %broadcast_in_dim3A_208 : i32 to vector<16xi32>
      %gather3A_210 = tpu.vector_load_idx %arg8[%broadcast_in_dim3A_209, %broadcast_in_dim3A_195] : memref<21x128xf32, #tpu.memory_space<vmem>>[vector<16xi32>, vector<16xi32>], vector<16xf32>,
      %broadcast_in_dim3A_211 = arith.constant 5 : i32
      %broadcast_in_dim3A_212 = vector.broadcast %broadcast_in_dim3A_211 : i32 to vector<16xi32>
      %gather3A_213 = tpu.vector_load_idx %arg8[%broadcast_in_dim3A_212, %broadcast_in_dim3A_195] : memref<21x128xf32, #tpu.memory_space<vmem>>[vector<16xi32>, vector<16xi32>], vector<16xf32>,
      %broadcast_in_dim3A_214 = arith.constant 6 : i32
      %broadcast_in_dim3A_215 = vector.broadcast %broadcast_in_dim3A_214 : i32 to vector<16xi32>
      %gather3A_216 = tpu.vector_load_idx %arg8[%broadcast_in_dim3A_215, %broadcast_in_dim3A_195] : memref<21x128xf32, #tpu.memory_space<vmem>>[vector<16xi32>, vector<16xi32>], vector<16xf32>,
      %broadcast_in_dim3A_217 = arith.constant 7 : i32
      %broadcast_in_dim3A_218 = vector.broadcast %broadcast_in_dim3A_217 : i32 to vector<16xi32>
      %gather3A_219 = tpu.vector_load_idx %arg8[%broadcast_in_dim3A_218, %broadcast_in_dim3A_195] : memref<21x128xf32, #tpu.memory_space<vmem>>[vector<16xi32>, vector<16xi32>], vector<16xf32>,
      %broadcast_in_dim3A_220 = arith.constant 8 : i32
      %broadcast_in_dim3A_221 = vector.broadcast %broadcast_in_dim3A_220 : i32 to vector<16xi32>
      %gather3A_222 = tpu.vector_load_idx %arg8[%broadcast_in_dim3A_221, %broadcast_in_dim3A_195] : memref<21x128xf32, #tpu.memory_space<vmem>>[vector<16xi32>, vector<16xi32>], vector<16xf32>,
      %broadcast_in_dim3A_223 = arith.constant 18 : i32
      %broadcast_in_dim3A_224 = vector.broadcast %broadcast_in_dim3A_223 : i32 to vector<16xi32>
      %gather3A_225 = tpu.vector_load_idx %arg8[%broadcast_in_dim3A_224, %broadcast_in_dim3A_195] : memref<21x128xf32, #tpu.memory_space<vmem>>[vector<16xi32>, vector<16xi32>], vector<16xf32>,
      %broadcast_in_dim3A_226 = arith.constant 19 : i32
      %broadcast_in_dim3A_227 = vector.broadcast %broadcast_in_dim3A_226 : i32 to vector<16xi32>
      %gather3A_228 = tpu.vector_load_idx %arg8[%broadcast_in_dim3A_227, %broadcast_in_dim3A_195] : memref<21x128xf32, #tpu.memory_space<vmem>>[vector<16xi32>, vector<16xi32>], vector<16xf32>,
      %broadcast_in_dim3A_229 = arith.constant 20 : i32
      %broadcast_in_dim3A_230 = vector.broadcast %broadcast_in_dim3A_229 : i32 to vector<16xi32>
      %gather3A_231 = tpu.vector_load_idx %arg8[%broadcast_in_dim3A_230, %broadcast_in_dim3A_195] : memref<21x128xf32, #tpu.memory_space<vmem>>[vector<16xi32>, vector<16xi32>], vector<16xf32>,
      %parallel_loop3A_232 = arith.constant 0 : i32
      %parallel_loop3A_233 = arith.constant 128 : i32
      %parallel_loop3A_234 = arith.constant 1 : i32
      scf.for %parallel_loop3A_312 = %parallel_loop3A_232 to %parallel_loop3A_233 step %parallel_loop3A_234  : i32 {
        %parallel_loop3A_313 = arith.constant 16 : i32
        %parallel_loop3A_314 = arith.muli %parallel_loop3A_312, %parallel_loop3A_313 : i32
        %parallel_loop3A_315 = arith.constant 0 : i32
        %parallel_loop3A_316 = arith.index_cast %reduce_max3A_194 : i32 to index
        %parallel_loop3A_317 = arith.index_cast %parallel_loop3A_315 : i32 to index
        %parallel_loop3A_318 = arith.index_cast %parallel_loop3A_314 : i32 to index
        %parallel_loop3A_319 = tpu.vector_load %arg6[%parallel_loop3A_316, %parallel_loop3A_317, %parallel_loop3A_318] {strides = array<i32>} : memref<10x3x2048xf32, #tpu.memory_space<vmem>>, vector<16xf32>,
        %parallel_loop3A_320 = arith.constant 1 : i32
        %parallel_loop3A_321 = arith.index_cast %reduce_max3A_194 : i32 to index
        %parallel_loop3A_322 = arith.index_cast %parallel_loop3A_320 : i32 to index
        %parallel_loop3A_323 = arith.index_cast %parallel_loop3A_314 : i32 to index
        %parallel_loop3A_324 = tpu.vector_load %arg6[%parallel_loop3A_321, %parallel_loop3A_322, %parallel_loop3A_323] {strides = array<i32>} : memref<10x3x2048xf32, #tpu.memory_space<vmem>>, vector<16xf32>,
        %parallel_loop3A_325 = arith.constant 2 : i32
        %parallel_loop3A_326 = arith.index_cast %reduce_max3A_194 : i32 to index
        %parallel_loop3A_327 = arith.index_cast %parallel_loop3A_325 : i32 to index
        %parallel_loop3A_328 = arith.index_cast %parallel_loop3A_314 : i32 to index
        %parallel_loop3A_329 = tpu.vector_load %arg6[%parallel_loop3A_326, %parallel_loop3A_327, %parallel_loop3A_328] {strides = array<i32>} : memref<10x3x2048xf32, #tpu.memory_space<vmem>>, vector<16xf32>,
        %parallel_loop3A_330 = arith.mulf %gather3A_198, %parallel_loop3A_319 : vector<16xf32>
        %parallel_loop3A_331 = arith.mulf %gather3A_201, %parallel_loop3A_324 : vector<16xf32>
        %parallel_loop3A_332 = arith.addf %parallel_loop3A_330, %parallel_loop3A_331 : vector<16xf32>
        %parallel_loop3A_333 = arith.mulf %gather3A_204, %parallel_loop3A_329 : vector<16xf32>
        %parallel_loop3A_334 = arith.addf %parallel_loop3A_332, %parallel_loop3A_333 : vector<16xf32>
        %parallel_loop3A_335 = arith.addf %parallel_loop3A_334, %gather3A_225 : vector<16xf32>
        %parallel_loop3A_336 = arith.constant 0 : i32
        %parallel_loop3A_337 = arith.constant 0 : i32
        %parallel_loop3A_338 = arith.index_cast %parallel_loop3A_336 : i32 to index
        %parallel_loop3A_339 = arith.index_cast %parallel_loop3A_337 : i32 to index
        %parallel_loop3A_340 = arith.index_cast %parallel_loop3A_314 : i32 to index
        %parallel_loop3A_341 = tpu.vector_load %arg11[%parallel_loop3A_338, %parallel_loop3A_339, %parallel_loop3A_340] {strides = array<i32>} : memref<3x1x2048xf32, #tpu.memory_space<vmem>>, vector<16xf32>,
        tpu.vector_store %arg11[%parallel_loop3A_338, %parallel_loop3A_339, %parallel_loop3A_340], %parallel_loop3A_335 {strides = array<i32>} : memref<3x1x2048xf32, #tpu.memory_space<vmem>>, vector<16xf32>,
        %parallel_loop3A_342 = arith.mulf %gather3A_207, %parallel_loop3A_319 : vector<16xf32>
        %parallel_loop3A_343 = arith.mulf %gather3A_210, %parallel_loop3A_324 : vector<16xf32>
        %parallel_loop3A_344 = arith.addf %parallel_loop3A_342, %parallel_loop3A_343 : vector<16xf32>
        %parallel_loop3A_345 = arith.mulf %gather3A_213, %parallel_loop3A_329 : vector<16xf32>
        %parallel_loop3A_346 = arith.addf %parallel_loop3A_344, %parallel_loop3A_345 : vector<16xf32>
        %parallel_loop3A_347 = arith.addf %parallel_loop3A_346, %gather3A_228 : vector<16xf32>
        %parallel_loop3A_348 = arith.constant 1 : i32
        %parallel_loop3A_349 = arith.constant 0 : i32
        %parallel_loop3A_350 = arith.index_cast %parallel_loop3A_348 : i32 to index
        %parallel_loop3A_351 = arith.index_cast %parallel_loop3A_349 : i32 to index
        %parallel_loop3A_352 = arith.index_cast %parallel_loop3A_314 : i32 to index
        %parallel_loop3A_353 = tpu.vector_load %arg11[%parallel_loop3A_350, %parallel_loop3A_351, %parallel_loop3A_352] {strides = array<i32>} : memref<3x1x2048xf32, #tpu.memory_space<vmem>>, vector<16xf32>,
        tpu.vector_store %arg11[%parallel_loop3A_350, %parallel_loop3A_351, %parallel_loop3A_352], %parallel_loop3A_347 {strides = array<i32>} : memref<3x1x2048xf32, #tpu.memory_space<vmem>>, vector<16xf32>,
        %parallel_loop3A_354 = arith.mulf %gather3A_216, %parallel_loop3A_319 : vector<16xf32>
        %parallel_loop3A_355 = arith.mulf %gather3A_219, %parallel_loop3A_324 : vector<16xf32>
        %parallel_loop3A_356 = arith.addf %parallel_loop3A_354, %parallel_loop3A_355 : vector<16xf32>
        %parallel_loop3A_357 = arith.mulf %gather3A_222, %parallel_loop3A_329 : vector<16xf32>
        %parallel_loop3A_358 = arith.addf %parallel_loop3A_356, %parallel_loop3A_357 : vector<16xf32>
        %parallel_loop3A_359 = arith.addf %parallel_loop3A_358, %gather3A_231 : vector<16xf32>
        %parallel_loop3A_360 = arith.constant 2 : i32
        %parallel_loop3A_361 = arith.constant 0 : i32
        %parallel_loop3A_362 = arith.index_cast %parallel_loop3A_360 : i32 to index
        %parallel_loop3A_363 = arith.index_cast %parallel_loop3A_361 : i32 to index
        %parallel_loop3A_364 = arith.index_cast %parallel_loop3A_314 : i32 to index
        %parallel_loop3A_365 = tpu.vector_load %arg11[%parallel_loop3A_362, %parallel_loop3A_363, %parallel_loop3A_364] {strides = array<i32>} : memref<3x1x2048xf32, #tpu.memory_space<vmem>>, vector<16xf32>,
        tpu.vector_store %arg11[%parallel_loop3A_362, %parallel_loop3A_363, %parallel_loop3A_364], %parallel_loop3A_359 {strides = array<i32>} : memref<3x1x2048xf32, #tpu.memory_space<vmem>>, vector<16xf32>,
      } {sc.loop_unroll_factor = 4 : i64, sc.parallel_access}
      %add3A_235 = arith.addi %mul3A_2, %mul3A_177 : i32
      %dma_start3A_236 = arith.constant 0 : i32
      %dma_start3A_237 = arith.constant 0 : i32
      %dma_start3A_238 = tpu.memref_slice %arg5[%dma_start3A_236, %add3A_235, %dma_start3A_237] : memref<3x4096x2048xf32, #tpu.memory_space<hbm>> -> memref<3x1x2048xf32, #tpu.memory_space<hbm>>
      %dma_start3A_239 = arith.constant 0 : i32
      %dma_start3A_240 = arith.constant 0 : i32
      %dma_start3A_241 = tpu.memref_slice %arg5[%dma_start3A_239, %add3A_235, %dma_start3A_240] : memref<3x4096x2048xf32, #tpu.memory_space<hbm>> -> memref<3x1x2048xf32, #tpu.memory_space<hbm>>
      tpu.enqueue_dma source(%arg11 : memref<3x1x2048xf32, #tpu.memory_space<vmem>>) target(%dma_start3A_241 : memref<3x1x2048xf32, #tpu.memory_space<hbm>>) target_semaphore(%arg15 : memref<!tpu.dma_semaphore, #tpu.memory_space<semaphore_mem>>)
      %mul3A_242 = arith.constant 4 : i32
      %mul3A_243 = arith.muli %mul3A_242, %scan3A_39 : i32
      %add3A_244 = arith.constant 3 : i32
      %add3A_245 = arith.addi %mul3A_243, %add3A_244 : i32
      %mul3A_246 = arith.constant 1 : i32
      %mul3A_247 = arith.muli %mul3A_246, %add3A_245 : i32
      %ge3A_248 = arith.constant 1 : i32
      %ge3A_249 = arith.cmpi sge, %scan3A_39, %ge3A_248 : i32
      %convert_element_type3A_250 = arith.extui %ge3A_249 : i1 to i32
      %cond3A_251 = arith.constant 0 : i32
      %cond3A_252 = arith.cmpi ne, %convert_element_type3A_250, %cond3A_251 : i32
      scf.if %cond3A_252 {
        %dma_wait3A_312 = arith.constant 0 : i32
        %dma_wait3A_313 = arith.constant 0 : i32
        %dma_wait3A_314 = arith.constant 0 : i32
        %dma_wait3A_315 = tpu.memref_slice %arg5[%dma_wait3A_312, %dma_wait3A_313, %dma_wait3A_314] : memref<3x4096x2048xf32, #tpu.memory_space<hbm>> -> memref<3x1x2048xf32, #tpu.memory_space<hbm>>
        %dma_wait3A_316 = arith.constant 0 : i32
        %dma_wait3A_317 = arith.constant 0 : i32
        %dma_wait3A_318 = arith.constant 0 : i32
        %dma_wait3A_319 = tpu.memref_slice %arg5[%dma_wait3A_316, %dma_wait3A_317, %dma_wait3A_318] : memref<3x4096x2048xf32, #tpu.memory_space<hbm>> -> memref<3x1x2048xf32, #tpu.memory_space<hbm>>
        tpu.wait_dma2 semaphore(%arg16 : memref<!tpu.dma_semaphore, #tpu.memory_space<semaphore_mem>>) src(%arg12 : memref<3x1x2048xf32, #tpu.memory_space<vmem>>) dst(%dma_wait3A_319 : memref<3x1x2048xf32, #tpu.memory_space<hbm>>)
      } else {
      }
      %add3A_253 = arith.constant 0 : i32
      %add3A_254 = arith.addi %mul3A_247, %add3A_253 : i32
      %broadcast_in_dim3A_255 = vector.broadcast %add3A_254 : i32 to vector<16xi32>
      %gather3A_256 = tpu.vector_load_idx %arg7[%broadcast_in_dim3A_255] : memref<128xi32, #tpu.memory_space<vmem>>[vector<16xi32>], vector<16xi32>,
      %reduce_max3A_257 = arith.constant true
      %reduce_max3A_258 = vector.broadcast %reduce_max3A_257 : i1 to vector<16xi1>
      %reduce_max3A_259 = arith.constant -2147483648 : i32
      %reduce_max3A_260 = vector.broadcast %reduce_max3A_259 : i32 to vector<16xi32>
      %reduce_max3A_261 = arith.xori %gather3A_256, %reduce_max3A_260 : vector<16xi32>
      %reduce_max3A_262 = tpu.scan <max>, %reduce_max3A_261 masked %reduce_max3A_258 : vector<16xi32>, vector<16xi1> -> vector<16xi32>
      %reduce_max3A_263 = arith.xori %reduce_max3A_262, %reduce_max3A_260 : vector<16xi32>
      %reduce_max3A_264 = vector.extract %reduce_max3A_263[15] : i32 from vector<16xi32>
      %broadcast_in_dim3A_265 = vector.broadcast %add3A_254 : i32 to vector<16xi32>
      %broadcast_in_dim3A_266 = arith.constant 0 : i32
      %broadcast_in_dim3A_267 = vector.broadcast %broadcast_in_dim3A_266 : i32 to vector<16xi32>
      %gather3A_268 = tpu.vector_load_idx %arg8[%broadcast_in_dim3A_267, %broadcast_in_dim3A_265] : memref<21x128xf32, #tpu.memory_space<vmem>>[vector<16xi32>, vector<16xi32>], vector<16xf32>,
      %broadcast_in_dim3A_269 = arith.constant 1 : i32
      %broadcast_in_dim3A_270 = vector.broadcast %broadcast_in_dim3A_269 : i32 to vector<16xi32>
      %gather3A_271 = tpu.vector_load_idx %arg8[%broadcast_in_dim3A_270, %broadcast_in_dim3A_265] : memref<21x128xf32, #tpu.memory_space<vmem>>[vector<16xi32>, vector<16xi32>], vector<16xf32>,
      %broadcast_in_dim3A_272 = arith.constant 2 : i32
      %broadcast_in_dim3A_273 = vector.broadcast %broadcast_in_dim3A_272 : i32 to vector<16xi32>
      %gather3A_274 = tpu.vector_load_idx %arg8[%broadcast_in_dim3A_273, %broadcast_in_dim3A_265] : memref<21x128xf32, #tpu.memory_space<vmem>>[vector<16xi32>, vector<16xi32>], vector<16xf32>,
      %broadcast_in_dim3A_275 = arith.constant 3 : i32
      %broadcast_in_dim3A_276 = vector.broadcast %broadcast_in_dim3A_275 : i32 to vector<16xi32>
      %gather3A_277 = tpu.vector_load_idx %arg8[%broadcast_in_dim3A_276, %broadcast_in_dim3A_265] : memref<21x128xf32, #tpu.memory_space<vmem>>[vector<16xi32>, vector<16xi32>], vector<16xf32>,
      %broadcast_in_dim3A_278 = arith.constant 4 : i32
      %broadcast_in_dim3A_279 = vector.broadcast %broadcast_in_dim3A_278 : i32 to vector<16xi32>
      %gather3A_280 = tpu.vector_load_idx %arg8[%broadcast_in_dim3A_279, %broadcast_in_dim3A_265] : memref<21x128xf32, #tpu.memory_space<vmem>>[vector<16xi32>, vector<16xi32>], vector<16xf32>,
      %broadcast_in_dim3A_281 = arith.constant 5 : i32
      %broadcast_in_dim3A_282 = vector.broadcast %broadcast_in_dim3A_281 : i32 to vector<16xi32>
      %gather3A_283 = tpu.vector_load_idx %arg8[%broadcast_in_dim3A_282, %broadcast_in_dim3A_265] : memref<21x128xf32, #tpu.memory_space<vmem>>[vector<16xi32>, vector<16xi32>], vector<16xf32>,
      %broadcast_in_dim3A_284 = arith.constant 6 : i32
      %broadcast_in_dim3A_285 = vector.broadcast %broadcast_in_dim3A_284 : i32 to vector<16xi32>
      %gather3A_286 = tpu.vector_load_idx %arg8[%broadcast_in_dim3A_285, %broadcast_in_dim3A_265] : memref<21x128xf32, #tpu.memory_space<vmem>>[vector<16xi32>, vector<16xi32>], vector<16xf32>,
      %broadcast_in_dim3A_287 = arith.constant 7 : i32
      %broadcast_in_dim3A_288 = vector.broadcast %broadcast_in_dim3A_287 : i32 to vector<16xi32>
      %gather3A_289 = tpu.vector_load_idx %arg8[%broadcast_in_dim3A_288, %broadcast_in_dim3A_265] : memref<21x128xf32, #tpu.memory_space<vmem>>[vector<16xi32>, vector<16xi32>], vector<16xf32>,
      %broadcast_in_dim3A_290 = arith.constant 8 : i32
      %broadcast_in_dim3A_291 = vector.broadcast %broadcast_in_dim3A_290 : i32 to vector<16xi32>
      %gather3A_292 = tpu.vector_load_idx %arg8[%broadcast_in_dim3A_291, %broadcast_in_dim3A_265] : memref<21x128xf32, #tpu.memory_space<vmem>>[vector<16xi32>, vector<16xi32>], vector<16xf32>,
      %broadcast_in_dim3A_293 = arith.constant 18 : i32
      %broadcast_in_dim3A_294 = vector.broadcast %broadcast_in_dim3A_293 : i32 to vector<16xi32>
      %gather3A_295 = tpu.vector_load_idx %arg8[%broadcast_in_dim3A_294, %broadcast_in_dim3A_265] : memref<21x128xf32, #tpu.memory_space<vmem>>[vector<16xi32>, vector<16xi32>], vector<16xf32>,
      %broadcast_in_dim3A_296 = arith.constant 19 : i32
      %broadcast_in_dim3A_297 = vector.broadcast %broadcast_in_dim3A_296 : i32 to vector<16xi32>
      %gather3A_298 = tpu.vector_load_idx %arg8[%broadcast_in_dim3A_297, %broadcast_in_dim3A_265] : memref<21x128xf32, #tpu.memory_space<vmem>>[vector<16xi32>, vector<16xi32>], vector<16xf32>,
      %broadcast_in_dim3A_299 = arith.constant 20 : i32
      %broadcast_in_dim3A_300 = vector.broadcast %broadcast_in_dim3A_299 : i32 to vector<16xi32>
      %gather3A_301 = tpu.vector_load_idx %arg8[%broadcast_in_dim3A_300, %broadcast_in_dim3A_265] : memref<21x128xf32, #tpu.memory_space<vmem>>[vector<16xi32>, vector<16xi32>], vector<16xf32>,
      %parallel_loop3A_302 = arith.constant 0 : i32
      %parallel_loop3A_303 = arith.constant 128 : i32
      %parallel_loop3A_304 = arith.constant 1 : i32
      scf.for %parallel_loop3A_312 = %parallel_loop3A_302 to %parallel_loop3A_303 step %parallel_loop3A_304  : i32 {
        %parallel_loop3A_313 = arith.constant 16 : i32
        %parallel_loop3A_314 = arith.muli %parallel_loop3A_312, %parallel_loop3A_313 : i32
        %parallel_loop3A_315 = arith.constant 0 : i32
        %parallel_loop3A_316 = arith.index_cast %reduce_max3A_264 : i32 to index
        %parallel_loop3A_317 = arith.index_cast %parallel_loop3A_315 : i32 to index
        %parallel_loop3A_318 = arith.index_cast %parallel_loop3A_314 : i32 to index
        %parallel_loop3A_319 = tpu.vector_load %arg6[%parallel_loop3A_316, %parallel_loop3A_317, %parallel_loop3A_318] {strides = array<i32>} : memref<10x3x2048xf32, #tpu.memory_space<vmem>>, vector<16xf32>,
        %parallel_loop3A_320 = arith.constant 1 : i32
        %parallel_loop3A_321 = arith.index_cast %reduce_max3A_264 : i32 to index
        %parallel_loop3A_322 = arith.index_cast %parallel_loop3A_320 : i32 to index
        %parallel_loop3A_323 = arith.index_cast %parallel_loop3A_314 : i32 to index
        %parallel_loop3A_324 = tpu.vector_load %arg6[%parallel_loop3A_321, %parallel_loop3A_322, %parallel_loop3A_323] {strides = array<i32>} : memref<10x3x2048xf32, #tpu.memory_space<vmem>>, vector<16xf32>,
        %parallel_loop3A_325 = arith.constant 2 : i32
        %parallel_loop3A_326 = arith.index_cast %reduce_max3A_264 : i32 to index
        %parallel_loop3A_327 = arith.index_cast %parallel_loop3A_325 : i32 to index
        %parallel_loop3A_328 = arith.index_cast %parallel_loop3A_314 : i32 to index
        %parallel_loop3A_329 = tpu.vector_load %arg6[%parallel_loop3A_326, %parallel_loop3A_327, %parallel_loop3A_328] {strides = array<i32>} : memref<10x3x2048xf32, #tpu.memory_space<vmem>>, vector<16xf32>,
        %parallel_loop3A_330 = arith.mulf %gather3A_268, %parallel_loop3A_319 : vector<16xf32>
        %parallel_loop3A_331 = arith.mulf %gather3A_271, %parallel_loop3A_324 : vector<16xf32>
        %parallel_loop3A_332 = arith.addf %parallel_loop3A_330, %parallel_loop3A_331 : vector<16xf32>
        %parallel_loop3A_333 = arith.mulf %gather3A_274, %parallel_loop3A_329 : vector<16xf32>
        %parallel_loop3A_334 = arith.addf %parallel_loop3A_332, %parallel_loop3A_333 : vector<16xf32>
        %parallel_loop3A_335 = arith.addf %parallel_loop3A_334, %gather3A_295 : vector<16xf32>
        %parallel_loop3A_336 = arith.constant 0 : i32
        %parallel_loop3A_337 = arith.constant 0 : i32
        %parallel_loop3A_338 = arith.index_cast %parallel_loop3A_336 : i32 to index
        %parallel_loop3A_339 = arith.index_cast %parallel_loop3A_337 : i32 to index
        %parallel_loop3A_340 = arith.index_cast %parallel_loop3A_314 : i32 to index
        %parallel_loop3A_341 = tpu.vector_load %arg12[%parallel_loop3A_338, %parallel_loop3A_339, %parallel_loop3A_340] {strides = array<i32>} : memref<3x1x2048xf32, #tpu.memory_space<vmem>>, vector<16xf32>,
        tpu.vector_store %arg12[%parallel_loop3A_338, %parallel_loop3A_339, %parallel_loop3A_340], %parallel_loop3A_335 {strides = array<i32>} : memref<3x1x2048xf32, #tpu.memory_space<vmem>>, vector<16xf32>,
        %parallel_loop3A_342 = arith.mulf %gather3A_277, %parallel_loop3A_319 : vector<16xf32>
        %parallel_loop3A_343 = arith.mulf %gather3A_280, %parallel_loop3A_324 : vector<16xf32>
        %parallel_loop3A_344 = arith.addf %parallel_loop3A_342, %parallel_loop3A_343 : vector<16xf32>
        %parallel_loop3A_345 = arith.mulf %gather3A_283, %parallel_loop3A_329 : vector<16xf32>
        %parallel_loop3A_346 = arith.addf %parallel_loop3A_344, %parallel_loop3A_345 : vector<16xf32>
        %parallel_loop3A_347 = arith.addf %parallel_loop3A_346, %gather3A_298 : vector<16xf32>
        %parallel_loop3A_348 = arith.constant 1 : i32
        %parallel_loop3A_349 = arith.constant 0 : i32
        %parallel_loop3A_350 = arith.index_cast %parallel_loop3A_348 : i32 to index
        %parallel_loop3A_351 = arith.index_cast %parallel_loop3A_349 : i32 to index
        %parallel_loop3A_352 = arith.index_cast %parallel_loop3A_314 : i32 to index
        %parallel_loop3A_353 = tpu.vector_load %arg12[%parallel_loop3A_350, %parallel_loop3A_351, %parallel_loop3A_352] {strides = array<i32>} : memref<3x1x2048xf32, #tpu.memory_space<vmem>>, vector<16xf32>,
        tpu.vector_store %arg12[%parallel_loop3A_350, %parallel_loop3A_351, %parallel_loop3A_352], %parallel_loop3A_347 {strides = array<i32>} : memref<3x1x2048xf32, #tpu.memory_space<vmem>>, vector<16xf32>,
        %parallel_loop3A_354 = arith.mulf %gather3A_286, %parallel_loop3A_319 : vector<16xf32>
        %parallel_loop3A_355 = arith.mulf %gather3A_289, %parallel_loop3A_324 : vector<16xf32>
        %parallel_loop3A_356 = arith.addf %parallel_loop3A_354, %parallel_loop3A_355 : vector<16xf32>
        %parallel_loop3A_357 = arith.mulf %gather3A_292, %parallel_loop3A_329 : vector<16xf32>
        %parallel_loop3A_358 = arith.addf %parallel_loop3A_356, %parallel_loop3A_357 : vector<16xf32>
        %parallel_loop3A_359 = arith.addf %parallel_loop3A_358, %gather3A_301 : vector<16xf32>
        %parallel_loop3A_360 = arith.constant 2 : i32
        %parallel_loop3A_361 = arith.constant 0 : i32
        %parallel_loop3A_362 = arith.index_cast %parallel_loop3A_360 : i32 to index
        %parallel_loop3A_363 = arith.index_cast %parallel_loop3A_361 : i32 to index
        %parallel_loop3A_364 = arith.index_cast %parallel_loop3A_314 : i32 to index
        %parallel_loop3A_365 = tpu.vector_load %arg12[%parallel_loop3A_362, %parallel_loop3A_363, %parallel_loop3A_364] {strides = array<i32>} : memref<3x1x2048xf32, #tpu.memory_space<vmem>>, vector<16xf32>,
        tpu.vector_store %arg12[%parallel_loop3A_362, %parallel_loop3A_363, %parallel_loop3A_364], %parallel_loop3A_359 {strides = array<i32>} : memref<3x1x2048xf32, #tpu.memory_space<vmem>>, vector<16xf32>,
      } {sc.loop_unroll_factor = 4 : i64, sc.parallel_access}
      %add3A_305 = arith.addi %mul3A_2, %mul3A_247 : i32
      %dma_start3A_306 = arith.constant 0 : i32
      %dma_start3A_307 = arith.constant 0 : i32
      %dma_start3A_308 = tpu.memref_slice %arg5[%dma_start3A_306, %add3A_305, %dma_start3A_307] : memref<3x4096x2048xf32, #tpu.memory_space<hbm>> -> memref<3x1x2048xf32, #tpu.memory_space<hbm>>
      %dma_start3A_309 = arith.constant 0 : i32
      %dma_start3A_310 = arith.constant 0 : i32
      %dma_start3A_311 = tpu.memref_slice %arg5[%dma_start3A_309, %add3A_305, %dma_start3A_310] : memref<3x4096x2048xf32, #tpu.memory_space<hbm>> -> memref<3x1x2048xf32, #tpu.memory_space<hbm>>
      tpu.enqueue_dma source(%arg12 : memref<3x1x2048xf32, #tpu.memory_space<vmem>>) target(%dma_start3A_311 : memref<3x1x2048xf32, #tpu.memory_space<hbm>>) target_semaphore(%arg16 : memref<!tpu.dma_semaphore, #tpu.memory_space<semaphore_mem>>)
    }
    %scan3A_7 = arith.constant 32 : i32
    %dma_wait3A = arith.constant 0 : i32
    %dma_wait3A_8 = arith.constant 0 : i32
    %dma_wait3A_9 = arith.constant 0 : i32
    %dma_wait3A_10 = tpu.memref_slice %arg5[%dma_wait3A, %dma_wait3A_8, %dma_wait3A_9] : memref<3x4096x2048xf32, #tpu.memory_space<hbm>> -> memref<3x1x2048xf32, #tpu.memory_space<hbm>>
    %dma_wait3A_11 = arith.constant 0 : i32
    %dma_wait3A_12 = arith.constant 0 : i32
    %dma_wait3A_13 = arith.constant 0 : i32
    %dma_wait3A_14 = tpu.memref_slice %arg5[%dma_wait3A_11, %dma_wait3A_12, %dma_wait3A_13] : memref<3x4096x2048xf32, #tpu.memory_space<hbm>> -> memref<3x1x2048xf32, #tpu.memory_space<hbm>>
    tpu.wait_dma2 semaphore(%arg13 : memref<!tpu.dma_semaphore, #tpu.memory_space<semaphore_mem>>) src(%arg9 : memref<3x1x2048xf32, #tpu.memory_space<vmem>>) dst(%dma_wait3A_14 : memref<3x1x2048xf32, #tpu.memory_space<hbm>>)
    %dma_wait3A_15 = arith.constant 0 : i32
    %dma_wait3A_16 = arith.constant 0 : i32
    %dma_wait3A_17 = arith.constant 0 : i32
    %dma_wait3A_18 = tpu.memref_slice %arg5[%dma_wait3A_15, %dma_wait3A_16, %dma_wait3A_17] : memref<3x4096x2048xf32, #tpu.memory_space<hbm>> -> memref<3x1x2048xf32, #tpu.memory_space<hbm>>
    %dma_wait3A_19 = arith.constant 0 : i32
    %dma_wait3A_20 = arith.constant 0 : i32
    %dma_wait3A_21 = arith.constant 0 : i32
    %dma_wait3A_22 = tpu.memref_slice %arg5[%dma_wait3A_19, %dma_wait3A_20, %dma_wait3A_21] : memref<3x4096x2048xf32, #tpu.memory_space<hbm>> -> memref<3x1x2048xf32, #tpu.memory_space<hbm>>
    tpu.wait_dma2 semaphore(%arg14 : memref<!tpu.dma_semaphore, #tpu.memory_space<semaphore_mem>>) src(%arg10 : memref<3x1x2048xf32, #tpu.memory_space<vmem>>) dst(%dma_wait3A_22 : memref<3x1x2048xf32, #tpu.memory_space<hbm>>)
    %dma_wait3A_23 = arith.constant 0 : i32
    %dma_wait3A_24 = arith.constant 0 : i32
    %dma_wait3A_25 = arith.constant 0 : i32
    %dma_wait3A_26 = tpu.memref_slice %arg5[%dma_wait3A_23, %dma_wait3A_24, %dma_wait3A_25] : memref<3x4096x2048xf32, #tpu.memory_space<hbm>> -> memref<3x1x2048xf32, #tpu.memory_space<hbm>>
    %dma_wait3A_27 = arith.constant 0 : i32
    %dma_wait3A_28 = arith.constant 0 : i32
    %dma_wait3A_29 = arith.constant 0 : i32
    %dma_wait3A_30 = tpu.memref_slice %arg5[%dma_wait3A_27, %dma_wait3A_28, %dma_wait3A_29] : memref<3x4096x2048xf32, #tpu.memory_space<hbm>> -> memref<3x1x2048xf32, #tpu.memory_space<hbm>>
    tpu.wait_dma2 semaphore(%arg15 : memref<!tpu.dma_semaphore, #tpu.memory_space<semaphore_mem>>) src(%arg11 : memref<3x1x2048xf32, #tpu.memory_space<vmem>>) dst(%dma_wait3A_30 : memref<3x1x2048xf32, #tpu.memory_space<hbm>>)
    %dma_wait3A_31 = arith.constant 0 : i32
    %dma_wait3A_32 = arith.constant 0 : i32
    %dma_wait3A_33 = arith.constant 0 : i32
    %dma_wait3A_34 = tpu.memref_slice %arg5[%dma_wait3A_31, %dma_wait3A_32, %dma_wait3A_33] : memref<3x4096x2048xf32, #tpu.memory_space<hbm>> -> memref<3x1x2048xf32, #tpu.memory_space<hbm>>
    %dma_wait3A_35 = arith.constant 0 : i32
    %dma_wait3A_36 = arith.constant 0 : i32
    %dma_wait3A_37 = arith.constant 0 : i32
    %dma_wait3A_38 = tpu.memref_slice %arg5[%dma_wait3A_35, %dma_wait3A_36, %dma_wait3A_37] : memref<3x4096x2048xf32, #tpu.memory_space<hbm>> -> memref<3x1x2048xf32, #tpu.memory_space<hbm>>
    tpu.wait_dma2 semaphore(%arg16 : memref<!tpu.dma_semaphore, #tpu.memory_space<semaphore_mem>>) src(%arg12 : memref<3x1x2048xf32, #tpu.memory_space<vmem>>) dst(%dma_wait3A_38 : memref<3x1x2048xf32, #tpu.memory_space<hbm>>)
    return
  }
}

module attributes {stable_mosaic.version = 14 : i64} {
  func.func @_param_body(%arg0: memref<32x128xf32, #tpu.memory_space<vmem>>, %arg1: memref<32x128xf32, #tpu.memory_space<vmem>>, %arg2: memref<32x128xf32, #tpu.memory_space<vmem>>, %arg3: memref<32x128xf32, #tpu.memory_space<vmem>>, %arg4: memref<32x128xf32, #tpu.memory_space<vmem>>, %arg5: memref<32x128xf32, #tpu.memory_space<vmem>>, %arg6: memref<32x128xf32, #tpu.memory_space<vmem>>, %arg7: memref<21x32x128xf32, #tpu.memory_space<vmem>>) attributes {dimension_semantics = [], scalar_prefetch = 0 : i64, scratch_operands = 0 : i64, tpu.core_type = #tpu.core_type<tc>} {
    %get3A = arith.constant 0 : index
    %get3A_0 = arith.constant 0 : index
    %get3A_1 = vector.load %arg0[%get3A, %get3A_0] : memref<32x128xf32, #tpu.memory_space<vmem>>, vector<32x128xf32>
    %abs3A = math.absf %get3A_1 : vector<32x128xf32>
    %lt3A = arith.constant 9.99999997E-7 : f32
    %lt3A_2 = vector.broadcast %lt3A : f32 to vector<32x128xf32>
    %lt3A_3 = arith.cmpf olt, %abs3A, %lt3A_2 : vector<32x128xf32>
    %broadcast_in_dim3A = arith.constant 1.000000e+00 : f32
    %broadcast_in_dim3A_4 = vector.broadcast %broadcast_in_dim3A : f32 to vector<32x128xf32>
    %select_n3A = arith.select %lt3A_3, %broadcast_in_dim3A_4, %abs3A : vector<32x128xi1>, vector<32x128xf32>
    %mul3A = arith.mulf %abs3A, %abs3A : vector<32x128xf32>
    %div3A = arith.constant 4.800000e+01 : f32
    %div3A_5 = vector.broadcast %div3A : f32 to vector<32x128xf32>
    %div3A_6 = arith.divf %mul3A, %div3A_5 : vector<32x128xf32>
    %sub3A = arith.constant 5.000000e-01 : f32
    %sub3A_7 = vector.broadcast %sub3A : f32 to vector<32x128xf32>
    %sub3A_8 = arith.subf %sub3A_7, %div3A_6 : vector<32x128xf32>
    %mul3A_9 = arith.constant 5.000000e-01 : f32
    %mul3A_10 = vector.broadcast %mul3A_9 : f32 to vector<32x128xf32>
    %mul3A_11 = arith.mulf %mul3A_10, %abs3A : vector<32x128xf32>
    %sin3A = math.sin %mul3A_11 : vector<32x128xf32>
    %div3A_12 = arith.divf %sin3A, %select_n3A : vector<32x128xf32>
    %select_n3A_13 = arith.select %lt3A_3, %sub3A_8, %div3A_12 : vector<32x128xi1>, vector<32x128xf32>
    %mul3A_14 = arith.constant 5.000000e-01 : f32
    %mul3A_15 = vector.broadcast %mul3A_14 : f32 to vector<32x128xf32>
    %mul3A_16 = arith.mulf %mul3A_15, %abs3A : vector<32x128xf32>
    %cos3A = math.cos %mul3A_16 : vector<32x128xf32>
    %neg3A = arith.constant 0.000000e+00 : f32
    %neg3A_17 = vector.broadcast %neg3A : f32 to vector<32x128xf32>
    %neg3A_18 = arith.subf %neg3A_17, %get3A_1 : vector<32x128xf32>
    %mul3A_19 = arith.mulf %neg3A_18, %select_n3A_13 : vector<32x128xf32>
    %get3A_20 = arith.constant 0 : index
    %get3A_21 = arith.constant 0 : index
    %get3A_22 = vector.load %arg1[%get3A_20, %get3A_21] : memref<32x128xf32, #tpu.memory_space<vmem>>, vector<32x128xf32>
    %get3A_23 = arith.constant 0 : index
    %get3A_24 = arith.constant 0 : index
    %get3A_25 = vector.load %arg2[%get3A_23, %get3A_24] : memref<32x128xf32, #tpu.memory_space<vmem>>, vector<32x128xf32>
    %get3A_26 = arith.constant 0 : index
    %get3A_27 = arith.constant 0 : index
    %get3A_28 = vector.load %arg3[%get3A_26, %get3A_27] : memref<32x128xf32, #tpu.memory_space<vmem>>, vector<32x128xf32>
    %mul3A_29 = arith.mulf %get3A_22, %get3A_22 : vector<32x128xf32>
    %mul3A_30 = arith.mulf %get3A_25, %get3A_25 : vector<32x128xf32>
    %add3A = arith.addf %mul3A_29, %mul3A_30 : vector<32x128xf32>
    %mul3A_31 = arith.mulf %get3A_28, %get3A_28 : vector<32x128xf32>
    %add3A_32 = arith.addf %add3A, %mul3A_31 : vector<32x128xf32>
    %sqrt3A = math.sqrt %add3A_32 : vector<32x128xf32>
    %lt3A_33 = arith.constant 9.99999997E-7 : f32
    %lt3A_34 = vector.broadcast %lt3A_33 : f32 to vector<32x128xf32>
    %lt3A_35 = arith.cmpf olt, %sqrt3A, %lt3A_34 : vector<32x128xf32>
    %broadcast_in_dim3A_36 = arith.constant 1.000000e+00 : f32
    %broadcast_in_dim3A_37 = vector.broadcast %broadcast_in_dim3A_36 : f32 to vector<32x128xf32>
    %select_n3A_38 = arith.select %lt3A_35, %broadcast_in_dim3A_37, %sqrt3A : vector<32x128xi1>, vector<32x128xf32>
    %div3A_39 = arith.constant 4.800000e+01 : f32
    %div3A_40 = vector.broadcast %div3A_39 : f32 to vector<32x128xf32>
    %div3A_41 = arith.divf %add3A_32, %div3A_40 : vector<32x128xf32>
    %sub3A_42 = arith.constant 5.000000e-01 : f32
    %sub3A_43 = vector.broadcast %sub3A_42 : f32 to vector<32x128xf32>
    %sub3A_44 = arith.subf %sub3A_43, %div3A_41 : vector<32x128xf32>
    %mul3A_45 = arith.constant 5.000000e-01 : f32
    %mul3A_46 = vector.broadcast %mul3A_45 : f32 to vector<32x128xf32>
    %mul3A_47 = arith.mulf %mul3A_46, %sqrt3A : vector<32x128xf32>
    %sin3A_48 = math.sin %mul3A_47 : vector<32x128xf32>
    %div3A_49 = arith.divf %sin3A_48, %select_n3A_38 : vector<32x128xf32>
    %select_n3A_50 = arith.select %lt3A_35, %sub3A_44, %div3A_49 : vector<32x128xi1>, vector<32x128xf32>
    %mul3A_51 = arith.constant 5.000000e-01 : f32
    %mul3A_52 = vector.broadcast %mul3A_51 : f32 to vector<32x128xf32>
    %mul3A_53 = arith.mulf %mul3A_52, %sqrt3A : vector<32x128xf32>
    %cos3A_54 = math.cos %mul3A_53 : vector<32x128xf32>
    %mul3A_55 = arith.mulf %get3A_22, %select_n3A_50 : vector<32x128xf32>
    %mul3A_56 = arith.mulf %get3A_25, %select_n3A_50 : vector<32x128xf32>
    %mul3A_57 = arith.mulf %get3A_28, %select_n3A_50 : vector<32x128xf32>
    %mul3A_58 = arith.mulf %cos3A_54, %cos3A : vector<32x128xf32>
    %mul3A_59 = arith.mulf %mul3A_57, %mul3A_19 : vector<32x128xf32>
    %sub3A_60 = arith.subf %mul3A_58, %mul3A_59 : vector<32x128xf32>
    %mul3A_61 = arith.mulf %mul3A_55, %cos3A : vector<32x128xf32>
    %mul3A_62 = arith.mulf %mul3A_56, %mul3A_19 : vector<32x128xf32>
    %add3A_63 = arith.addf %mul3A_61, %mul3A_62 : vector<32x128xf32>
    %mul3A_64 = arith.mulf %mul3A_56, %cos3A : vector<32x128xf32>
    %mul3A_65 = arith.mulf %mul3A_55, %mul3A_19 : vector<32x128xf32>
    %sub3A_66 = arith.subf %mul3A_64, %mul3A_65 : vector<32x128xf32>
    %mul3A_67 = arith.mulf %cos3A_54, %mul3A_19 : vector<32x128xf32>
    %mul3A_68 = arith.mulf %mul3A_57, %cos3A : vector<32x128xf32>
    %add3A_69 = arith.addf %mul3A_67, %mul3A_68 : vector<32x128xf32>
    %mul3A_70 = arith.mulf %mul3A_56, %mul3A_56 : vector<32x128xf32>
    %mul3A_71 = arith.mulf %mul3A_57, %mul3A_57 : vector<32x128xf32>
    %add3A_72 = arith.addf %mul3A_70, %mul3A_71 : vector<32x128xf32>
    %mul3A_73 = arith.constant 2.000000e+00 : f32
    %mul3A_74 = vector.broadcast %mul3A_73 : f32 to vector<32x128xf32>
    %mul3A_75 = arith.mulf %mul3A_74, %add3A_72 : vector<32x128xf32>
    %sub3A_76 = arith.constant 1.000000e+00 : f32
    %sub3A_77 = vector.broadcast %sub3A_76 : f32 to vector<32x128xf32>
    %sub3A_78 = arith.subf %sub3A_77, %mul3A_75 : vector<32x128xf32>
    %mul3A_79 = arith.mulf %mul3A_55, %mul3A_56 : vector<32x128xf32>
    %mul3A_80 = arith.mulf %cos3A_54, %mul3A_57 : vector<32x128xf32>
    %sub3A_81 = arith.subf %mul3A_79, %mul3A_80 : vector<32x128xf32>
    %mul3A_82 = arith.constant 2.000000e+00 : f32
    %mul3A_83 = vector.broadcast %mul3A_82 : f32 to vector<32x128xf32>
    %mul3A_84 = arith.mulf %mul3A_83, %sub3A_81 : vector<32x128xf32>
    %mul3A_85 = arith.mulf %mul3A_55, %mul3A_57 : vector<32x128xf32>
    %mul3A_86 = arith.mulf %cos3A_54, %mul3A_56 : vector<32x128xf32>
    %add3A_87 = arith.addf %mul3A_85, %mul3A_86 : vector<32x128xf32>
    %mul3A_88 = arith.constant 2.000000e+00 : f32
    %mul3A_89 = vector.broadcast %mul3A_88 : f32 to vector<32x128xf32>
    %mul3A_90 = arith.mulf %mul3A_89, %add3A_87 : vector<32x128xf32>
    %mul3A_91 = arith.mulf %mul3A_55, %mul3A_56 : vector<32x128xf32>
    %mul3A_92 = arith.mulf %cos3A_54, %mul3A_57 : vector<32x128xf32>
    %add3A_93 = arith.addf %mul3A_91, %mul3A_92 : vector<32x128xf32>
    %mul3A_94 = arith.constant 2.000000e+00 : f32
    %mul3A_95 = vector.broadcast %mul3A_94 : f32 to vector<32x128xf32>
    %mul3A_96 = arith.mulf %mul3A_95, %add3A_93 : vector<32x128xf32>
    %mul3A_97 = arith.mulf %mul3A_55, %mul3A_55 : vector<32x128xf32>
    %mul3A_98 = arith.mulf %mul3A_57, %mul3A_57 : vector<32x128xf32>
    %add3A_99 = arith.addf %mul3A_97, %mul3A_98 : vector<32x128xf32>
    %mul3A_100 = arith.constant 2.000000e+00 : f32
    %mul3A_101 = vector.broadcast %mul3A_100 : f32 to vector<32x128xf32>
    %mul3A_102 = arith.mulf %mul3A_101, %add3A_99 : vector<32x128xf32>
    %sub3A_103 = arith.constant 1.000000e+00 : f32
    %sub3A_104 = vector.broadcast %sub3A_103 : f32 to vector<32x128xf32>
    %sub3A_105 = arith.subf %sub3A_104, %mul3A_102 : vector<32x128xf32>
    %mul3A_106 = arith.mulf %mul3A_56, %mul3A_57 : vector<32x128xf32>
    %mul3A_107 = arith.mulf %cos3A_54, %mul3A_55 : vector<32x128xf32>
    %sub3A_108 = arith.subf %mul3A_106, %mul3A_107 : vector<32x128xf32>
    %mul3A_109 = arith.constant 2.000000e+00 : f32
    %mul3A_110 = vector.broadcast %mul3A_109 : f32 to vector<32x128xf32>
    %mul3A_111 = arith.mulf %mul3A_110, %sub3A_108 : vector<32x128xf32>
    %mul3A_112 = arith.mulf %mul3A_55, %mul3A_57 : vector<32x128xf32>
    %mul3A_113 = arith.mulf %cos3A_54, %mul3A_56 : vector<32x128xf32>
    %sub3A_114 = arith.subf %mul3A_112, %mul3A_113 : vector<32x128xf32>
    %mul3A_115 = arith.constant 2.000000e+00 : f32
    %mul3A_116 = vector.broadcast %mul3A_115 : f32 to vector<32x128xf32>
    %mul3A_117 = arith.mulf %mul3A_116, %sub3A_114 : vector<32x128xf32>
    %mul3A_118 = arith.mulf %mul3A_56, %mul3A_57 : vector<32x128xf32>
    %mul3A_119 = arith.mulf %cos3A_54, %mul3A_55 : vector<32x128xf32>
    %add3A_120 = arith.addf %mul3A_118, %mul3A_119 : vector<32x128xf32>
    %mul3A_121 = arith.constant 2.000000e+00 : f32
    %mul3A_122 = vector.broadcast %mul3A_121 : f32 to vector<32x128xf32>
    %mul3A_123 = arith.mulf %mul3A_122, %add3A_120 : vector<32x128xf32>
    %mul3A_124 = arith.mulf %mul3A_55, %mul3A_55 : vector<32x128xf32>
    %mul3A_125 = arith.mulf %mul3A_56, %mul3A_56 : vector<32x128xf32>
    %add3A_126 = arith.addf %mul3A_124, %mul3A_125 : vector<32x128xf32>
    %mul3A_127 = arith.constant 2.000000e+00 : f32
    %mul3A_128 = vector.broadcast %mul3A_127 : f32 to vector<32x128xf32>
    %mul3A_129 = arith.mulf %mul3A_128, %add3A_126 : vector<32x128xf32>
    %sub3A_130 = arith.constant 1.000000e+00 : f32
    %sub3A_131 = vector.broadcast %sub3A_130 : f32 to vector<32x128xf32>
    %sub3A_132 = arith.subf %sub3A_131, %mul3A_129 : vector<32x128xf32>
    %mul3A_133 = arith.mulf %sub3A_66, %sub3A_66 : vector<32x128xf32>
    %mul3A_134 = arith.mulf %add3A_69, %add3A_69 : vector<32x128xf32>
    %add3A_135 = arith.addf %mul3A_133, %mul3A_134 : vector<32x128xf32>
    %mul3A_136 = arith.constant 2.000000e+00 : f32
    %mul3A_137 = vector.broadcast %mul3A_136 : f32 to vector<32x128xf32>
    %mul3A_138 = arith.mulf %mul3A_137, %add3A_135 : vector<32x128xf32>
    %sub3A_139 = arith.constant 1.000000e+00 : f32
    %sub3A_140 = vector.broadcast %sub3A_139 : f32 to vector<32x128xf32>
    %sub3A_141 = arith.subf %sub3A_140, %mul3A_138 : vector<32x128xf32>
    %mul3A_142 = arith.mulf %add3A_63, %sub3A_66 : vector<32x128xf32>
    %mul3A_143 = arith.mulf %sub3A_60, %add3A_69 : vector<32x128xf32>
    %sub3A_144 = arith.subf %mul3A_142, %mul3A_143 : vector<32x128xf32>
    %mul3A_145 = arith.constant 2.000000e+00 : f32
    %mul3A_146 = vector.broadcast %mul3A_145 : f32 to vector<32x128xf32>
    %mul3A_147 = arith.mulf %mul3A_146, %sub3A_144 : vector<32x128xf32>
    %mul3A_148 = arith.mulf %add3A_63, %add3A_69 : vector<32x128xf32>
    %mul3A_149 = arith.mulf %sub3A_60, %sub3A_66 : vector<32x128xf32>
    %add3A_150 = arith.addf %mul3A_148, %mul3A_149 : vector<32x128xf32>
    %mul3A_151 = arith.constant 2.000000e+00 : f32
    %mul3A_152 = vector.broadcast %mul3A_151 : f32 to vector<32x128xf32>
    %mul3A_153 = arith.mulf %mul3A_152, %add3A_150 : vector<32x128xf32>
    %mul3A_154 = arith.mulf %add3A_63, %sub3A_66 : vector<32x128xf32>
    %mul3A_155 = arith.mulf %sub3A_60, %add3A_69 : vector<32x128xf32>
    %add3A_156 = arith.addf %mul3A_154, %mul3A_155 : vector<32x128xf32>
    %mul3A_157 = arith.constant 2.000000e+00 : f32
    %mul3A_158 = vector.broadcast %mul3A_157 : f32 to vector<32x128xf32>
    %mul3A_159 = arith.mulf %mul3A_158, %add3A_156 : vector<32x128xf32>
    %mul3A_160 = arith.mulf %add3A_63, %add3A_63 : vector<32x128xf32>
    %mul3A_161 = arith.mulf %add3A_69, %add3A_69 : vector<32x128xf32>
    %add3A_162 = arith.addf %mul3A_160, %mul3A_161 : vector<32x128xf32>
    %mul3A_163 = arith.constant 2.000000e+00 : f32
    %mul3A_164 = vector.broadcast %mul3A_163 : f32 to vector<32x128xf32>
    %mul3A_165 = arith.mulf %mul3A_164, %add3A_162 : vector<32x128xf32>
    %sub3A_166 = arith.constant 1.000000e+00 : f32
    %sub3A_167 = vector.broadcast %sub3A_166 : f32 to vector<32x128xf32>
    %sub3A_168 = arith.subf %sub3A_167, %mul3A_165 : vector<32x128xf32>
    %mul3A_169 = arith.mulf %sub3A_66, %add3A_69 : vector<32x128xf32>
    %mul3A_170 = arith.mulf %sub3A_60, %add3A_63 : vector<32x128xf32>
    %sub3A_171 = arith.subf %mul3A_169, %mul3A_170 : vector<32x128xf32>
    %mul3A_172 = arith.constant 2.000000e+00 : f32
    %mul3A_173 = vector.broadcast %mul3A_172 : f32 to vector<32x128xf32>
    %mul3A_174 = arith.mulf %mul3A_173, %sub3A_171 : vector<32x128xf32>
    %mul3A_175 = arith.mulf %add3A_63, %add3A_69 : vector<32x128xf32>
    %mul3A_176 = arith.mulf %sub3A_60, %sub3A_66 : vector<32x128xf32>
    %sub3A_177 = arith.subf %mul3A_175, %mul3A_176 : vector<32x128xf32>
    %mul3A_178 = arith.constant 2.000000e+00 : f32
    %mul3A_179 = vector.broadcast %mul3A_178 : f32 to vector<32x128xf32>
    %mul3A_180 = arith.mulf %mul3A_179, %sub3A_177 : vector<32x128xf32>
    %mul3A_181 = arith.mulf %sub3A_66, %add3A_69 : vector<32x128xf32>
    %mul3A_182 = arith.mulf %sub3A_60, %add3A_63 : vector<32x128xf32>
    %add3A_183 = arith.addf %mul3A_181, %mul3A_182 : vector<32x128xf32>
    %mul3A_184 = arith.constant 2.000000e+00 : f32
    %mul3A_185 = vector.broadcast %mul3A_184 : f32 to vector<32x128xf32>
    %mul3A_186 = arith.mulf %mul3A_185, %add3A_183 : vector<32x128xf32>
    %mul3A_187 = arith.mulf %add3A_63, %add3A_63 : vector<32x128xf32>
    %mul3A_188 = arith.mulf %sub3A_66, %sub3A_66 : vector<32x128xf32>
    %add3A_189 = arith.addf %mul3A_187, %mul3A_188 : vector<32x128xf32>
    %mul3A_190 = arith.constant 2.000000e+00 : f32
    %mul3A_191 = vector.broadcast %mul3A_190 : f32 to vector<32x128xf32>
    %mul3A_192 = arith.mulf %mul3A_191, %add3A_189 : vector<32x128xf32>
    %sub3A_193 = arith.constant 1.000000e+00 : f32
    %sub3A_194 = vector.broadcast %sub3A_193 : f32 to vector<32x128xf32>
    %sub3A_195 = arith.subf %sub3A_194, %mul3A_192 : vector<32x128xf32>
    %get3A_196 = arith.constant 0 : index
    %get3A_197 = arith.constant 0 : index
    %get3A_198 = vector.load %arg4[%get3A_196, %get3A_197] : memref<32x128xf32, #tpu.memory_space<vmem>>, vector<32x128xf32>
    %get3A_199 = arith.constant 0 : index
    %get3A_200 = arith.constant 0 : index
    %get3A_201 = vector.load %arg5[%get3A_199, %get3A_200] : memref<32x128xf32, #tpu.memory_space<vmem>>, vector<32x128xf32>
    %get3A_202 = arith.constant 0 : index
    %get3A_203 = arith.constant 0 : index
    %get3A_204 = vector.load %arg6[%get3A_202, %get3A_203] : memref<32x128xf32, #tpu.memory_space<vmem>>, vector<32x128xf32>
    %swap3A = arith.constant 0 : index
    %swap3A_205 = arith.constant 0 : index
    %swap3A_206 = arith.constant 0 : index
    %swap3A_207 = vector.load %arg7[%swap3A, %swap3A_205, %swap3A_206] : memref<21x32x128xf32, #tpu.memory_space<vmem>>, vector<1x32x128xf32>
    %swap3A_208 = vector.shape_cast %swap3A_207 : vector<1x32x128xf32> to vector<32x128xf32>
    %swap3A_209 = vector.shape_cast %sub3A_78 : vector<32x128xf32> to vector<1x32x128xf32>
    tpu.vector_store %arg7[%swap3A, %swap3A_205, %swap3A_206], %swap3A_209 {strides = array<i32>} : memref<21x32x128xf32, #tpu.memory_space<vmem>>, vector<1x32x128xf32>,
    %swap3A_210 = arith.constant 1 : index
    %swap3A_211 = arith.constant 0 : index
    %swap3A_212 = arith.constant 0 : index
    %swap3A_213 = vector.load %arg7[%swap3A_210, %swap3A_211, %swap3A_212] : memref<21x32x128xf32, #tpu.memory_space<vmem>>, vector<1x32x128xf32>
    %swap3A_214 = vector.shape_cast %swap3A_213 : vector<1x32x128xf32> to vector<32x128xf32>
    %swap3A_215 = vector.shape_cast %mul3A_84 : vector<32x128xf32> to vector<1x32x128xf32>
    tpu.vector_store %arg7[%swap3A_210, %swap3A_211, %swap3A_212], %swap3A_215 {strides = array<i32>} : memref<21x32x128xf32, #tpu.memory_space<vmem>>, vector<1x32x128xf32>,
    %swap3A_216 = arith.constant 2 : index
    %swap3A_217 = arith.constant 0 : index
    %swap3A_218 = arith.constant 0 : index
    %swap3A_219 = vector.load %arg7[%swap3A_216, %swap3A_217, %swap3A_218] : memref<21x32x128xf32, #tpu.memory_space<vmem>>, vector<1x32x128xf32>
    %swap3A_220 = vector.shape_cast %swap3A_219 : vector<1x32x128xf32> to vector<32x128xf32>
    %swap3A_221 = vector.shape_cast %mul3A_90 : vector<32x128xf32> to vector<1x32x128xf32>
    tpu.vector_store %arg7[%swap3A_216, %swap3A_217, %swap3A_218], %swap3A_221 {strides = array<i32>} : memref<21x32x128xf32, #tpu.memory_space<vmem>>, vector<1x32x128xf32>,
    %swap3A_222 = arith.constant 3 : index
    %swap3A_223 = arith.constant 0 : index
    %swap3A_224 = arith.constant 0 : index
    %swap3A_225 = vector.load %arg7[%swap3A_222, %swap3A_223, %swap3A_224] : memref<21x32x128xf32, #tpu.memory_space<vmem>>, vector<1x32x128xf32>
    %swap3A_226 = vector.shape_cast %swap3A_225 : vector<1x32x128xf32> to vector<32x128xf32>
    %swap3A_227 = vector.shape_cast %mul3A_96 : vector<32x128xf32> to vector<1x32x128xf32>
    tpu.vector_store %arg7[%swap3A_222, %swap3A_223, %swap3A_224], %swap3A_227 {strides = array<i32>} : memref<21x32x128xf32, #tpu.memory_space<vmem>>, vector<1x32x128xf32>,
    %swap3A_228 = arith.constant 4 : index
    %swap3A_229 = arith.constant 0 : index
    %swap3A_230 = arith.constant 0 : index
    %swap3A_231 = vector.load %arg7[%swap3A_228, %swap3A_229, %swap3A_230] : memref<21x32x128xf32, #tpu.memory_space<vmem>>, vector<1x32x128xf32>
    %swap3A_232 = vector.shape_cast %swap3A_231 : vector<1x32x128xf32> to vector<32x128xf32>
    %swap3A_233 = vector.shape_cast %sub3A_105 : vector<32x128xf32> to vector<1x32x128xf32>
    tpu.vector_store %arg7[%swap3A_228, %swap3A_229, %swap3A_230], %swap3A_233 {strides = array<i32>} : memref<21x32x128xf32, #tpu.memory_space<vmem>>, vector<1x32x128xf32>,
    %swap3A_234 = arith.constant 5 : index
    %swap3A_235 = arith.constant 0 : index
    %swap3A_236 = arith.constant 0 : index
    %swap3A_237 = vector.load %arg7[%swap3A_234, %swap3A_235, %swap3A_236] : memref<21x32x128xf32, #tpu.memory_space<vmem>>, vector<1x32x128xf32>
    %swap3A_238 = vector.shape_cast %swap3A_237 : vector<1x32x128xf32> to vector<32x128xf32>
    %swap3A_239 = vector.shape_cast %mul3A_111 : vector<32x128xf32> to vector<1x32x128xf32>
    tpu.vector_store %arg7[%swap3A_234, %swap3A_235, %swap3A_236], %swap3A_239 {strides = array<i32>} : memref<21x32x128xf32, #tpu.memory_space<vmem>>, vector<1x32x128xf32>,
    %swap3A_240 = arith.constant 6 : index
    %swap3A_241 = arith.constant 0 : index
    %swap3A_242 = arith.constant 0 : index
    %swap3A_243 = vector.load %arg7[%swap3A_240, %swap3A_241, %swap3A_242] : memref<21x32x128xf32, #tpu.memory_space<vmem>>, vector<1x32x128xf32>
    %swap3A_244 = vector.shape_cast %swap3A_243 : vector<1x32x128xf32> to vector<32x128xf32>
    %swap3A_245 = vector.shape_cast %mul3A_117 : vector<32x128xf32> to vector<1x32x128xf32>
    tpu.vector_store %arg7[%swap3A_240, %swap3A_241, %swap3A_242], %swap3A_245 {strides = array<i32>} : memref<21x32x128xf32, #tpu.memory_space<vmem>>, vector<1x32x128xf32>,
    %swap3A_246 = arith.constant 7 : index
    %swap3A_247 = arith.constant 0 : index
    %swap3A_248 = arith.constant 0 : index
    %swap3A_249 = vector.load %arg7[%swap3A_246, %swap3A_247, %swap3A_248] : memref<21x32x128xf32, #tpu.memory_space<vmem>>, vector<1x32x128xf32>
    %swap3A_250 = vector.shape_cast %swap3A_249 : vector<1x32x128xf32> to vector<32x128xf32>
    %swap3A_251 = vector.shape_cast %mul3A_123 : vector<32x128xf32> to vector<1x32x128xf32>
    tpu.vector_store %arg7[%swap3A_246, %swap3A_247, %swap3A_248], %swap3A_251 {strides = array<i32>} : memref<21x32x128xf32, #tpu.memory_space<vmem>>, vector<1x32x128xf32>,
    %swap3A_252 = arith.constant 8 : index
    %swap3A_253 = arith.constant 0 : index
    %swap3A_254 = arith.constant 0 : index
    %swap3A_255 = vector.load %arg7[%swap3A_252, %swap3A_253, %swap3A_254] : memref<21x32x128xf32, #tpu.memory_space<vmem>>, vector<1x32x128xf32>
    %swap3A_256 = vector.shape_cast %swap3A_255 : vector<1x32x128xf32> to vector<32x128xf32>
    %swap3A_257 = vector.shape_cast %sub3A_132 : vector<32x128xf32> to vector<1x32x128xf32>
    tpu.vector_store %arg7[%swap3A_252, %swap3A_253, %swap3A_254], %swap3A_257 {strides = array<i32>} : memref<21x32x128xf32, #tpu.memory_space<vmem>>, vector<1x32x128xf32>,
    %swap3A_258 = arith.constant 9 : index
    %swap3A_259 = arith.constant 0 : index
    %swap3A_260 = arith.constant 0 : index
    %swap3A_261 = vector.load %arg7[%swap3A_258, %swap3A_259, %swap3A_260] : memref<21x32x128xf32, #tpu.memory_space<vmem>>, vector<1x32x128xf32>
    %swap3A_262 = vector.shape_cast %swap3A_261 : vector<1x32x128xf32> to vector<32x128xf32>
    %swap3A_263 = vector.shape_cast %sub3A_141 : vector<32x128xf32> to vector<1x32x128xf32>
    tpu.vector_store %arg7[%swap3A_258, %swap3A_259, %swap3A_260], %swap3A_263 {strides = array<i32>} : memref<21x32x128xf32, #tpu.memory_space<vmem>>, vector<1x32x128xf32>,
    %swap3A_264 = arith.constant 10 : index
    %swap3A_265 = arith.constant 0 : index
    %swap3A_266 = arith.constant 0 : index
    %swap3A_267 = vector.load %arg7[%swap3A_264, %swap3A_265, %swap3A_266] : memref<21x32x128xf32, #tpu.memory_space<vmem>>, vector<1x32x128xf32>
    %swap3A_268 = vector.shape_cast %swap3A_267 : vector<1x32x128xf32> to vector<32x128xf32>
    %swap3A_269 = vector.shape_cast %mul3A_147 : vector<32x128xf32> to vector<1x32x128xf32>
    tpu.vector_store %arg7[%swap3A_264, %swap3A_265, %swap3A_266], %swap3A_269 {strides = array<i32>} : memref<21x32x128xf32, #tpu.memory_space<vmem>>, vector<1x32x128xf32>,
    %swap3A_270 = arith.constant 11 : index
    %swap3A_271 = arith.constant 0 : index
    %swap3A_272 = arith.constant 0 : index
    %swap3A_273 = vector.load %arg7[%swap3A_270, %swap3A_271, %swap3A_272] : memref<21x32x128xf32, #tpu.memory_space<vmem>>, vector<1x32x128xf32>
    %swap3A_274 = vector.shape_cast %swap3A_273 : vector<1x32x128xf32> to vector<32x128xf32>
    %swap3A_275 = vector.shape_cast %mul3A_153 : vector<32x128xf32> to vector<1x32x128xf32>
    tpu.vector_store %arg7[%swap3A_270, %swap3A_271, %swap3A_272], %swap3A_275 {strides = array<i32>} : memref<21x32x128xf32, #tpu.memory_space<vmem>>, vector<1x32x128xf32>,
    %swap3A_276 = arith.constant 12 : index
    %swap3A_277 = arith.constant 0 : index
    %swap3A_278 = arith.constant 0 : index
    %swap3A_279 = vector.load %arg7[%swap3A_276, %swap3A_277, %swap3A_278] : memref<21x32x128xf32, #tpu.memory_space<vmem>>, vector<1x32x128xf32>
    %swap3A_280 = vector.shape_cast %swap3A_279 : vector<1x32x128xf32> to vector<32x128xf32>
    %swap3A_281 = vector.shape_cast %mul3A_159 : vector<32x128xf32> to vector<1x32x128xf32>
    tpu.vector_store %arg7[%swap3A_276, %swap3A_277, %swap3A_278], %swap3A_281 {strides = array<i32>} : memref<21x32x128xf32, #tpu.memory_space<vmem>>, vector<1x32x128xf32>,
    %swap3A_282 = arith.constant 13 : index
    %swap3A_283 = arith.constant 0 : index
    %swap3A_284 = arith.constant 0 : index
    %swap3A_285 = vector.load %arg7[%swap3A_282, %swap3A_283, %swap3A_284] : memref<21x32x128xf32, #tpu.memory_space<vmem>>, vector<1x32x128xf32>
    %swap3A_286 = vector.shape_cast %swap3A_285 : vector<1x32x128xf32> to vector<32x128xf32>
    %swap3A_287 = vector.shape_cast %sub3A_168 : vector<32x128xf32> to vector<1x32x128xf32>
    tpu.vector_store %arg7[%swap3A_282, %swap3A_283, %swap3A_284], %swap3A_287 {strides = array<i32>} : memref<21x32x128xf32, #tpu.memory_space<vmem>>, vector<1x32x128xf32>,
    %swap3A_288 = arith.constant 14 : index
    %swap3A_289 = arith.constant 0 : index
    %swap3A_290 = arith.constant 0 : index
    %swap3A_291 = vector.load %arg7[%swap3A_288, %swap3A_289, %swap3A_290] : memref<21x32x128xf32, #tpu.memory_space<vmem>>, vector<1x32x128xf32>
    %swap3A_292 = vector.shape_cast %swap3A_291 : vector<1x32x128xf32> to vector<32x128xf32>
    %swap3A_293 = vector.shape_cast %mul3A_174 : vector<32x128xf32> to vector<1x32x128xf32>
    tpu.vector_store %arg7[%swap3A_288, %swap3A_289, %swap3A_290], %swap3A_293 {strides = array<i32>} : memref<21x32x128xf32, #tpu.memory_space<vmem>>, vector<1x32x128xf32>,
    %swap3A_294 = arith.constant 15 : index
    %swap3A_295 = arith.constant 0 : index
    %swap3A_296 = arith.constant 0 : index
    %swap3A_297 = vector.load %arg7[%swap3A_294, %swap3A_295, %swap3A_296] : memref<21x32x128xf32, #tpu.memory_space<vmem>>, vector<1x32x128xf32>
    %swap3A_298 = vector.shape_cast %swap3A_297 : vector<1x32x128xf32> to vector<32x128xf32>
    %swap3A_299 = vector.shape_cast %mul3A_180 : vector<32x128xf32> to vector<1x32x128xf32>
    tpu.vector_store %arg7[%swap3A_294, %swap3A_295, %swap3A_296], %swap3A_299 {strides = array<i32>} : memref<21x32x128xf32, #tpu.memory_space<vmem>>, vector<1x32x128xf32>,
    %swap3A_300 = arith.constant 16 : index
    %swap3A_301 = arith.constant 0 : index
    %swap3A_302 = arith.constant 0 : index
    %swap3A_303 = vector.load %arg7[%swap3A_300, %swap3A_301, %swap3A_302] : memref<21x32x128xf32, #tpu.memory_space<vmem>>, vector<1x32x128xf32>
    %swap3A_304 = vector.shape_cast %swap3A_303 : vector<1x32x128xf32> to vector<32x128xf32>
    %swap3A_305 = vector.shape_cast %mul3A_186 : vector<32x128xf32> to vector<1x32x128xf32>
    tpu.vector_store %arg7[%swap3A_300, %swap3A_301, %swap3A_302], %swap3A_305 {strides = array<i32>} : memref<21x32x128xf32, #tpu.memory_space<vmem>>, vector<1x32x128xf32>,
    %swap3A_306 = arith.constant 17 : index
    %swap3A_307 = arith.constant 0 : index
    %swap3A_308 = arith.constant 0 : index
    %swap3A_309 = vector.load %arg7[%swap3A_306, %swap3A_307, %swap3A_308] : memref<21x32x128xf32, #tpu.memory_space<vmem>>, vector<1x32x128xf32>
    %swap3A_310 = vector.shape_cast %swap3A_309 : vector<1x32x128xf32> to vector<32x128xf32>
    %swap3A_311 = vector.shape_cast %sub3A_195 : vector<32x128xf32> to vector<1x32x128xf32>
    tpu.vector_store %arg7[%swap3A_306, %swap3A_307, %swap3A_308], %swap3A_311 {strides = array<i32>} : memref<21x32x128xf32, #tpu.memory_space<vmem>>, vector<1x32x128xf32>,
    %swap3A_312 = arith.constant 18 : index
    %swap3A_313 = arith.constant 0 : index
    %swap3A_314 = arith.constant 0 : index
    %swap3A_315 = vector.load %arg7[%swap3A_312, %swap3A_313, %swap3A_314] : memref<21x32x128xf32, #tpu.memory_space<vmem>>, vector<1x32x128xf32>
    %swap3A_316 = vector.shape_cast %swap3A_315 : vector<1x32x128xf32> to vector<32x128xf32>
    %swap3A_317 = vector.shape_cast %get3A_198 : vector<32x128xf32> to vector<1x32x128xf32>
    tpu.vector_store %arg7[%swap3A_312, %swap3A_313, %swap3A_314], %swap3A_317 {strides = array<i32>} : memref<21x32x128xf32, #tpu.memory_space<vmem>>, vector<1x32x128xf32>,
    %swap3A_318 = arith.constant 19 : index
    %swap3A_319 = arith.constant 0 : index
    %swap3A_320 = arith.constant 0 : index
    %swap3A_321 = vector.load %arg7[%swap3A_318, %swap3A_319, %swap3A_320] : memref<21x32x128xf32, #tpu.memory_space<vmem>>, vector<1x32x128xf32>
    %swap3A_322 = vector.shape_cast %swap3A_321 : vector<1x32x128xf32> to vector<32x128xf32>
    %swap3A_323 = vector.shape_cast %get3A_201 : vector<32x128xf32> to vector<1x32x128xf32>
    tpu.vector_store %arg7[%swap3A_318, %swap3A_319, %swap3A_320], %swap3A_323 {strides = array<i32>} : memref<21x32x128xf32, #tpu.memory_space<vmem>>, vector<1x32x128xf32>,
    %swap3A_324 = arith.constant 20 : index
    %swap3A_325 = arith.constant 0 : index
    %swap3A_326 = arith.constant 0 : index
    %swap3A_327 = vector.load %arg7[%swap3A_324, %swap3A_325, %swap3A_326] : memref<21x32x128xf32, #tpu.memory_space<vmem>>, vector<1x32x128xf32>
    %swap3A_328 = vector.shape_cast %swap3A_327 : vector<1x32x128xf32> to vector<32x128xf32>
    %swap3A_329 = vector.shape_cast %get3A_204 : vector<32x128xf32> to vector<1x32x128xf32>
    tpu.vector_store %arg7[%swap3A_324, %swap3A_325, %swap3A_326], %swap3A_329 {strides = array<i32>} : memref<21x32x128xf32, #tpu.memory_space<vmem>>, vector<1x32x128xf32>,
    return
  }
}

module attributes {stable_mosaic.version = 14 : i64} {
  func.func @_tc_main_body(%arg0: i32, %arg1: memref<256x1xi32, #tpu.memory_space<vmem>>, %arg2: memref<256x24xf32, #tpu.memory_space<vmem>>, %arg3: memref<32x2048xf32, #tpu.memory_space<vmem>>, %arg4: memref<3x256x2048xf32, #tpu.memory_space<vmem>>) attributes {dimension_semantics = [#tpu.dimension_semantics<arbitrary>], iteration_bounds = array<i64: 16>, scalar_prefetch = 0 : i64, scratch_operands = 0 : i64, tpu.core_type = #tpu.core_type<tc>, window_params = [{transform_indices = @transform_0, window_bounds = array<i64: 256, 1>}, {transform_indices = @transform_1, window_bounds = array<i64: 256, 24>}, {pipeline_mode = #tpu.pipeline_mode<synchronous>, transform_indices = @transform_2, window_bounds = array<i64: 32, 2048>}, {transform_indices = @transform_3, window_bounds = array<i64: 3, 256, 2048>}]} {
    %get3A = arith.constant 0 : index
    %get3A_0 = arith.constant 0 : index
    %get3A_1 = vector.load %arg1[%get3A, %get3A_0] : memref<256x1xi32, #tpu.memory_space<vmem>>, vector<256x1xi32>
    %iota3A = tpu.iota {dimensions = array<i32: 1>} : vector<1x10xi32>
    %eq3A = vector.broadcast %get3A_1 : vector<256x1xi32> to vector<256x10xi32>
    %eq3A_2 = vector.broadcast %iota3A : vector<1x10xi32> to vector<256x10xi32>
    %eq3A_3 = arith.cmpi eq, %eq3A, %eq3A_2 : vector<256x10xi32>
    %jit3A = arith.constant 1.000000e+00 : f32
    %jit3A_4 = arith.constant 0.000000e+00 : f32
    %broadcast_in_dim3A = vector.broadcast %jit3A : f32 to vector<256x10xf32>
    %broadcast_in_dim3A_5 = vector.broadcast %jit3A_4 : f32 to vector<256x10xf32>
    %select_n3A = arith.select %eq3A_3, %broadcast_in_dim3A, %broadcast_in_dim3A_5 : vector<256x10xi1>, vector<256x10xf32>
    %get3A_6 = arith.constant 0 : index
    %get3A_7 = arith.constant 0 : index
    %get3A_8 = vector.load %arg3[%get3A_6, %get3A_7] : memref<32x2048xf32, #tpu.memory_space<vmem>>, vector<32x2048xf32>
    %get3A_9 = arith.constant 0 : index
    %get3A_10 = arith.constant 9 : index
    %get3A_11 = vector.load %arg2[%get3A_9, %get3A_10] : memref<256x24xf32, #tpu.memory_space<vmem>>, vector<256x3xf32>
    %get3A_12 = arith.constant 0 : index
    %get3A_13 = arith.constant 18 : index
    %get3A_14 = vector.load %arg2[%get3A_12, %get3A_13] : memref<256x24xf32, #tpu.memory_space<vmem>>, vector<256x1xf32>
    %slice3A = vector.extract_strided_slice %select_n3A {offsets = [0, 0], sizes = [256, 1], strides = [1, 1]} : vector<256x10xf32> to vector<256x1xf32>
    %mul3A = vector.broadcast %slice3A : vector<256x1xf32> to vector<256x3xf32>
    %mul3A_15 = arith.mulf %mul3A, %get3A_11 : vector<256x3xf32>
    %slice3A_16 = vector.extract_strided_slice %select_n3A {offsets = [0, 1], sizes = [256, 1], strides = [1, 1]} : vector<256x10xf32> to vector<256x1xf32>
    %mul3A_17 = vector.broadcast %slice3A_16 : vector<256x1xf32> to vector<256x3xf32>
    %mul3A_18 = arith.mulf %mul3A_17, %get3A_11 : vector<256x3xf32>
    %slice3A_19 = vector.extract_strided_slice %select_n3A {offsets = [0, 2], sizes = [256, 1], strides = [1, 1]} : vector<256x10xf32> to vector<256x1xf32>
    %mul3A_20 = vector.broadcast %slice3A_19 : vector<256x1xf32> to vector<256x3xf32>
    %mul3A_21 = arith.mulf %mul3A_20, %get3A_11 : vector<256x3xf32>
    %slice3A_22 = vector.extract_strided_slice %select_n3A {offsets = [0, 3], sizes = [256, 1], strides = [1, 1]} : vector<256x10xf32> to vector<256x1xf32>
    %mul3A_23 = vector.broadcast %slice3A_22 : vector<256x1xf32> to vector<256x3xf32>
    %mul3A_24 = arith.mulf %mul3A_23, %get3A_11 : vector<256x3xf32>
    %slice3A_25 = vector.extract_strided_slice %select_n3A {offsets = [0, 4], sizes = [256, 1], strides = [1, 1]} : vector<256x10xf32> to vector<256x1xf32>
    %mul3A_26 = vector.broadcast %slice3A_25 : vector<256x1xf32> to vector<256x3xf32>
    %mul3A_27 = arith.mulf %mul3A_26, %get3A_11 : vector<256x3xf32>
    %slice3A_28 = vector.extract_strided_slice %select_n3A {offsets = [0, 5], sizes = [256, 1], strides = [1, 1]} : vector<256x10xf32> to vector<256x1xf32>
    %mul3A_29 = vector.broadcast %slice3A_28 : vector<256x1xf32> to vector<256x3xf32>
    %mul3A_30 = arith.mulf %mul3A_29, %get3A_11 : vector<256x3xf32>
    %slice3A_31 = vector.extract_strided_slice %select_n3A {offsets = [0, 6], sizes = [256, 1], strides = [1, 1]} : vector<256x10xf32> to vector<256x1xf32>
    %mul3A_32 = vector.broadcast %slice3A_31 : vector<256x1xf32> to vector<256x3xf32>
    %mul3A_33 = arith.mulf %mul3A_32, %get3A_11 : vector<256x3xf32>
    %slice3A_34 = vector.extract_strided_slice %select_n3A {offsets = [0, 7], sizes = [256, 1], strides = [1, 1]} : vector<256x10xf32> to vector<256x1xf32>
    %mul3A_35 = vector.broadcast %slice3A_34 : vector<256x1xf32> to vector<256x3xf32>
    %mul3A_36 = arith.mulf %mul3A_35, %get3A_11 : vector<256x3xf32>
    %slice3A_37 = vector.extract_strided_slice %select_n3A {offsets = [0, 8], sizes = [256, 1], strides = [1, 1]} : vector<256x10xf32> to vector<256x1xf32>
    %mul3A_38 = vector.broadcast %slice3A_37 : vector<256x1xf32> to vector<256x3xf32>
    %mul3A_39 = arith.mulf %mul3A_38, %get3A_11 : vector<256x3xf32>
    %slice3A_40 = vector.extract_strided_slice %select_n3A {offsets = [0, 9], sizes = [256, 1], strides = [1, 1]} : vector<256x10xf32> to vector<256x1xf32>
    %mul3A_41 = vector.broadcast %slice3A_40 : vector<256x1xf32> to vector<256x3xf32>
    %mul3A_42 = arith.mulf %mul3A_41, %get3A_11 : vector<256x3xf32>
    %broadcast_in_dim3A_43 = arith.constant 0.000000e+00 : f32
    %broadcast_in_dim3A_44 = vector.broadcast %broadcast_in_dim3A_43 : f32 to vector<256x1xf32>
    %concatenate3A = tpu.concatenate %mul3A_15, %mul3A_18, %mul3A_21, %mul3A_24, %mul3A_27, %mul3A_30, %mul3A_33, %mul3A_36, %mul3A_39, %mul3A_42, %get3A_14, %broadcast_in_dim3A_44 in 1 : vector<256x3xf32>, vector<256x3xf32>, vector<256x3xf32>, vector<256x3xf32>, vector<256x3xf32>, vector<256x3xf32>, vector<256x3xf32>, vector<256x3xf32>, vector<256x3xf32>, vector<256x3xf32>, vector<256x1xf32>, vector<256x1xf32> -> vector<256x32xf32>
    %dot_general3A = arith.constant dense<0.000000e+00> : vector<256x2048xf32>
    %dot_general3A_45 = tpu.matmul %concatenate3A, %get3A_8, %dot_general3A {dimension_numbers = #tpu.dot_dimension_numbers<[1], [0], [0], [1], [0, 0, 1, 1], [], []>, precision = #tpu.contract_precision<fp32>, transpose_lhs_hint = false} : vector<256x32xf32>, vector<32x2048xf32>, vector<256x2048xf32> -> vector<256x2048xf32>
    %swap3A = arith.constant 0 : index
    %swap3A_46 = arith.constant 0 : index
    %swap3A_47 = arith.constant 0 : index
    %swap3A_48 = vector.load %arg4[%swap3A, %swap3A_46, %swap3A_47] : memref<3x256x2048xf32, #tpu.memory_space<vmem>>, vector<1x256x2048xf32>
    %swap3A_49 = vector.shape_cast %swap3A_48 : vector<1x256x2048xf32> to vector<256x2048xf32>
    %swap3A_50 = vector.shape_cast %dot_general3A_45 : vector<256x2048xf32> to vector<1x256x2048xf32>
    tpu.vector_store %arg4[%swap3A, %swap3A_46, %swap3A_47], %swap3A_50 {strides = array<i32>} : memref<3x256x2048xf32, #tpu.memory_space<vmem>>, vector<1x256x2048xf32>,
    %get3A_51 = arith.constant 0 : index
    %get3A_52 = arith.constant 12 : index
    %get3A_53 = vector.load %arg2[%get3A_51, %get3A_52] : memref<256x24xf32, #tpu.memory_space<vmem>>, vector<256x3xf32>
    %get3A_54 = arith.constant 0 : index
    %get3A_55 = arith.constant 19 : index
    %get3A_56 = vector.load %arg2[%get3A_54, %get3A_55] : memref<256x24xf32, #tpu.memory_space<vmem>>, vector<256x1xf32>
    %slice3A_57 = vector.extract_strided_slice %select_n3A {offsets = [0, 0], sizes = [256, 1], strides = [1, 1]} : vector<256x10xf32> to vector<256x1xf32>
    %mul3A_58 = vector.broadcast %slice3A_57 : vector<256x1xf32> to vector<256x3xf32>
    %mul3A_59 = arith.mulf %mul3A_58, %get3A_53 : vector<256x3xf32>
    %slice3A_60 = vector.extract_strided_slice %select_n3A {offsets = [0, 1], sizes = [256, 1], strides = [1, 1]} : vector<256x10xf32> to vector<256x1xf32>
    %mul3A_61 = vector.broadcast %slice3A_60 : vector<256x1xf32> to vector<256x3xf32>
    %mul3A_62 = arith.mulf %mul3A_61, %get3A_53 : vector<256x3xf32>
    %slice3A_63 = vector.extract_strided_slice %select_n3A {offsets = [0, 2], sizes = [256, 1], strides = [1, 1]} : vector<256x10xf32> to vector<256x1xf32>
    %mul3A_64 = vector.broadcast %slice3A_63 : vector<256x1xf32> to vector<256x3xf32>
    %mul3A_65 = arith.mulf %mul3A_64, %get3A_53 : vector<256x3xf32>
    %slice3A_66 = vector.extract_strided_slice %select_n3A {offsets = [0, 3], sizes = [256, 1], strides = [1, 1]} : vector<256x10xf32> to vector<256x1xf32>
    %mul3A_67 = vector.broadcast %slice3A_66 : vector<256x1xf32> to vector<256x3xf32>
    %mul3A_68 = arith.mulf %mul3A_67, %get3A_53 : vector<256x3xf32>
    %slice3A_69 = vector.extract_strided_slice %select_n3A {offsets = [0, 4], sizes = [256, 1], strides = [1, 1]} : vector<256x10xf32> to vector<256x1xf32>
    %mul3A_70 = vector.broadcast %slice3A_69 : vector<256x1xf32> to vector<256x3xf32>
    %mul3A_71 = arith.mulf %mul3A_70, %get3A_53 : vector<256x3xf32>
    %slice3A_72 = vector.extract_strided_slice %select_n3A {offsets = [0, 5], sizes = [256, 1], strides = [1, 1]} : vector<256x10xf32> to vector<256x1xf32>
    %mul3A_73 = vector.broadcast %slice3A_72 : vector<256x1xf32> to vector<256x3xf32>
    %mul3A_74 = arith.mulf %mul3A_73, %get3A_53 : vector<256x3xf32>
    %slice3A_75 = vector.extract_strided_slice %select_n3A {offsets = [0, 6], sizes = [256, 1], strides = [1, 1]} : vector<256x10xf32> to vector<256x1xf32>
    %mul3A_76 = vector.broadcast %slice3A_75 : vector<256x1xf32> to vector<256x3xf32>
    %mul3A_77 = arith.mulf %mul3A_76, %get3A_53 : vector<256x3xf32>
    %slice3A_78 = vector.extract_strided_slice %select_n3A {offsets = [0, 7], sizes = [256, 1], strides = [1, 1]} : vector<256x10xf32> to vector<256x1xf32>
    %mul3A_79 = vector.broadcast %slice3A_78 : vector<256x1xf32> to vector<256x3xf32>
    %mul3A_80 = arith.mulf %mul3A_79, %get3A_53 : vector<256x3xf32>
    %slice3A_81 = vector.extract_strided_slice %select_n3A {offsets = [0, 8], sizes = [256, 1], strides = [1, 1]} : vector<256x10xf32> to vector<256x1xf32>
    %mul3A_82 = vector.broadcast %slice3A_81 : vector<256x1xf32> to vector<256x3xf32>
    %mul3A_83 = arith.mulf %mul3A_82, %get3A_53 : vector<256x3xf32>
    %slice3A_84 = vector.extract_strided_slice %select_n3A {offsets = [0, 9], sizes = [256, 1], strides = [1, 1]} : vector<256x10xf32> to vector<256x1xf32>
    %mul3A_85 = vector.broadcast %slice3A_84 : vector<256x1xf32> to vector<256x3xf32>
    %mul3A_86 = arith.mulf %mul3A_85, %get3A_53 : vector<256x3xf32>
    %broadcast_in_dim3A_87 = arith.constant 0.000000e+00 : f32
    %broadcast_in_dim3A_88 = vector.broadcast %broadcast_in_dim3A_87 : f32 to vector<256x1xf32>
    %concatenate3A_89 = tpu.concatenate %mul3A_59, %mul3A_62, %mul3A_65, %mul3A_68, %mul3A_71, %mul3A_74, %mul3A_77, %mul3A_80, %mul3A_83, %mul3A_86, %get3A_56, %broadcast_in_dim3A_88 in 1 : vector<256x3xf32>, vector<256x3xf32>, vector<256x3xf32>, vector<256x3xf32>, vector<256x3xf32>, vector<256x3xf32>, vector<256x3xf32>, vector<256x3xf32>, vector<256x3xf32>, vector<256x3xf32>, vector<256x1xf32>, vector<256x1xf32> -> vector<256x32xf32>
    %dot_general3A_90 = arith.constant dense<0.000000e+00> : vector<256x2048xf32>
    %dot_general3A_91 = tpu.matmul %concatenate3A_89, %get3A_8, %dot_general3A_90 {dimension_numbers = #tpu.dot_dimension_numbers<[1], [0], [0], [1], [0, 0, 1, 1], [], []>, precision = #tpu.contract_precision<fp32>, transpose_lhs_hint = false} : vector<256x32xf32>, vector<32x2048xf32>, vector<256x2048xf32> -> vector<256x2048xf32>
    %swap3A_92 = arith.constant 1 : index
    %swap3A_93 = arith.constant 0 : index
    %swap3A_94 = arith.constant 0 : index
    %swap3A_95 = vector.load %arg4[%swap3A_92, %swap3A_93, %swap3A_94] : memref<3x256x2048xf32, #tpu.memory_space<vmem>>, vector<1x256x2048xf32>
    %swap3A_96 = vector.shape_cast %swap3A_95 : vector<1x256x2048xf32> to vector<256x2048xf32>
    %swap3A_97 = vector.shape_cast %dot_general3A_91 : vector<256x2048xf32> to vector<1x256x2048xf32>
    tpu.vector_store %arg4[%swap3A_92, %swap3A_93, %swap3A_94], %swap3A_97 {strides = array<i32>} : memref<3x256x2048xf32, #tpu.memory_space<vmem>>, vector<1x256x2048xf32>,
    %get3A_98 = arith.constant 0 : index
    %get3A_99 = arith.constant 15 : index
    %get3A_100 = vector.load %arg2[%get3A_98, %get3A_99] : memref<256x24xf32, #tpu.memory_space<vmem>>, vector<256x3xf32>
    %get3A_101 = arith.constant 0 : index
    %get3A_102 = arith.constant 20 : index
    %get3A_103 = vector.load %arg2[%get3A_101, %get3A_102] : memref<256x24xf32, #tpu.memory_space<vmem>>, vector<256x1xf32>
    %slice3A_104 = vector.extract_strided_slice %select_n3A {offsets = [0, 0], sizes = [256, 1], strides = [1, 1]} : vector<256x10xf32> to vector<256x1xf32>
    %mul3A_105 = vector.broadcast %slice3A_104 : vector<256x1xf32> to vector<256x3xf32>
    %mul3A_106 = arith.mulf %mul3A_105, %get3A_100 : vector<256x3xf32>
    %slice3A_107 = vector.extract_strided_slice %select_n3A {offsets = [0, 1], sizes = [256, 1], strides = [1, 1]} : vector<256x10xf32> to vector<256x1xf32>
    %mul3A_108 = vector.broadcast %slice3A_107 : vector<256x1xf32> to vector<256x3xf32>
    %mul3A_109 = arith.mulf %mul3A_108, %get3A_100 : vector<256x3xf32>
    %slice3A_110 = vector.extract_strided_slice %select_n3A {offsets = [0, 2], sizes = [256, 1], strides = [1, 1]} : vector<256x10xf32> to vector<256x1xf32>
    %mul3A_111 = vector.broadcast %slice3A_110 : vector<256x1xf32> to vector<256x3xf32>
    %mul3A_112 = arith.mulf %mul3A_111, %get3A_100 : vector<256x3xf32>
    %slice3A_113 = vector.extract_strided_slice %select_n3A {offsets = [0, 3], sizes = [256, 1], strides = [1, 1]} : vector<256x10xf32> to vector<256x1xf32>
    %mul3A_114 = vector.broadcast %slice3A_113 : vector<256x1xf32> to vector<256x3xf32>
    %mul3A_115 = arith.mulf %mul3A_114, %get3A_100 : vector<256x3xf32>
    %slice3A_116 = vector.extract_strided_slice %select_n3A {offsets = [0, 4], sizes = [256, 1], strides = [1, 1]} : vector<256x10xf32> to vector<256x1xf32>
    %mul3A_117 = vector.broadcast %slice3A_116 : vector<256x1xf32> to vector<256x3xf32>
    %mul3A_118 = arith.mulf %mul3A_117, %get3A_100 : vector<256x3xf32>
    %slice3A_119 = vector.extract_strided_slice %select_n3A {offsets = [0, 5], sizes = [256, 1], strides = [1, 1]} : vector<256x10xf32> to vector<256x1xf32>
    %mul3A_120 = vector.broadcast %slice3A_119 : vector<256x1xf32> to vector<256x3xf32>
    %mul3A_121 = arith.mulf %mul3A_120, %get3A_100 : vector<256x3xf32>
    %slice3A_122 = vector.extract_strided_slice %select_n3A {offsets = [0, 6], sizes = [256, 1], strides = [1, 1]} : vector<256x10xf32> to vector<256x1xf32>
    %mul3A_123 = vector.broadcast %slice3A_122 : vector<256x1xf32> to vector<256x3xf32>
    %mul3A_124 = arith.mulf %mul3A_123, %get3A_100 : vector<256x3xf32>
    %slice3A_125 = vector.extract_strided_slice %select_n3A {offsets = [0, 7], sizes = [256, 1], strides = [1, 1]} : vector<256x10xf32> to vector<256x1xf32>
    %mul3A_126 = vector.broadcast %slice3A_125 : vector<256x1xf32> to vector<256x3xf32>
    %mul3A_127 = arith.mulf %mul3A_126, %get3A_100 : vector<256x3xf32>
    %slice3A_128 = vector.extract_strided_slice %select_n3A {offsets = [0, 8], sizes = [256, 1], strides = [1, 1]} : vector<256x10xf32> to vector<256x1xf32>
    %mul3A_129 = vector.broadcast %slice3A_128 : vector<256x1xf32> to vector<256x3xf32>
    %mul3A_130 = arith.mulf %mul3A_129, %get3A_100 : vector<256x3xf32>
    %slice3A_131 = vector.extract_strided_slice %select_n3A {offsets = [0, 9], sizes = [256, 1], strides = [1, 1]} : vector<256x10xf32> to vector<256x1xf32>
    %mul3A_132 = vector.broadcast %slice3A_131 : vector<256x1xf32> to vector<256x3xf32>
    %mul3A_133 = arith.mulf %mul3A_132, %get3A_100 : vector<256x3xf32>
    %broadcast_in_dim3A_134 = arith.constant 0.000000e+00 : f32
    %broadcast_in_dim3A_135 = vector.broadcast %broadcast_in_dim3A_134 : f32 to vector<256x1xf32>
    %concatenate3A_136 = tpu.concatenate %mul3A_106, %mul3A_109, %mul3A_112, %mul3A_115, %mul3A_118, %mul3A_121, %mul3A_124, %mul3A_127, %mul3A_130, %mul3A_133, %get3A_103, %broadcast_in_dim3A_135 in 1 : vector<256x3xf32>, vector<256x3xf32>, vector<256x3xf32>, vector<256x3xf32>, vector<256x3xf32>, vector<256x3xf32>, vector<256x3xf32>, vector<256x3xf32>, vector<256x3xf32>, vector<256x3xf32>, vector<256x1xf32>, vector<256x1xf32> -> vector<256x32xf32>
    %dot_general3A_137 = arith.constant dense<0.000000e+00> : vector<256x2048xf32>
    %dot_general3A_138 = tpu.matmul %concatenate3A_136, %get3A_8, %dot_general3A_137 {dimension_numbers = #tpu.dot_dimension_numbers<[1], [0], [0], [1], [0, 0, 1, 1], [], []>, precision = #tpu.contract_precision<fp32>, transpose_lhs_hint = false} : vector<256x32xf32>, vector<32x2048xf32>, vector<256x2048xf32> -> vector<256x2048xf32>
    %swap3A_139 = arith.constant 2 : index
    %swap3A_140 = arith.constant 0 : index
    %swap3A_141 = arith.constant 0 : index
    %swap3A_142 = vector.load %arg4[%swap3A_139, %swap3A_140, %swap3A_141] : memref<3x256x2048xf32, #tpu.memory_space<vmem>>, vector<1x256x2048xf32>
    %swap3A_143 = vector.shape_cast %swap3A_142 : vector<1x256x2048xf32> to vector<256x2048xf32>
    %swap3A_144 = vector.shape_cast %dot_general3A_138 : vector<256x2048xf32> to vector<1x256x2048xf32>
    tpu.vector_store %arg4[%swap3A_139, %swap3A_140, %swap3A_141], %swap3A_144 {strides = array<i32>} : memref<3x256x2048xf32, #tpu.memory_space<vmem>>, vector<1x256x2048xf32>,
    return
  }
  func.func @transform_0(%arg0: i32) -> (i32, i32) {
    %c0_i32 = arith.constant 0 : i32
    %c0_i32_0 = arith.constant 0 : i32
    return %arg0, %c0_i32 : i32, i32
  }
  func.func @transform_1(%arg0: i32) -> (i32, i32) {
    %c0_i32 = arith.constant 0 : i32
    %c0_i32_0 = arith.constant 0 : i32
    return %arg0, %c0_i32 : i32, i32
  }
  func.func @transform_2(%arg0: i32) -> (i32, i32) {
    %c0_i32 = arith.constant 0 : i32
    %c0_i32_0 = arith.constant 0 : i32
    %c0_i32_1 = arith.constant 0 : i32
    return %c0_i32, %c0_i32_0 : i32, i32
  }
  func.func @transform_3(%arg0: i32) -> (i32, i32, i32) {
    %c0_i32 = arith.constant 0 : i32
    %c0_i32_0 = arith.constant 0 : i32
    %c0_i32_1 = arith.constant 0 : i32
    return %c0_i32, %arg0, %c0_i32_0 : i32, i32, i32
  }
}

</mosaic_0001>

<sc_bundles>
// kernel: kernel.5.cloned.1.call-start
scs
__scs_entry_jumppad:
0x0: {  	(pc) =	sbr.rel $0x88, $3  }
0x1: {  	(tag) =	ssettag $0x0;
	lr =	simm.s32 $0x1  }
0x2: {  	[smem:$0x3F9B] =	sst lr;
	_ =	strace $0xD0000000  }
0x3: {  	_ = 	snop  }
0x4: {  	_ = 	snop  }
0x5: {  	_ = 	snop  }
0x6: {  	_ = 	snop  }
0x7: {  	_ = 	snop  }
__scs_overlays_trampoline_lowered:
0x8: {  	[smem:$0x3FAA] =	sst s0  }
0x9: {  	[smem:$0x3FAB] =	sst s1  }
0xa: {  	[smem:$0x3FAC] =	sst s2  }
0xb: {  	[smem:$0x3FAD] =	sst s3  }
0xc: {  	[smem:$0x3FAE] =	sst s4  }
0xd: {  	[smem:$0x3FAF] =	sst s5  }
0xe: {  	[smem:$0x3FB0] =	sst s6  }
0xf: {  	[smem:$0x3FB1] =	sst s7  }
0x10: {  	[smem:$0x3FB2] =	sst s8  }
0x11: {  	[smem:$0x3FB3] =	sst s9;
	s0 =	simm.s32 @!p0 $0x0  }
0x12: {  	s1 =	sld [smem:$0x3F99];
	s0 =	simm.s32 @p0 $0x1  }
0x13: {  	[smem:$0x3FB4] =	sst s0;
	s0 =	simm.s32 @!p1 $0x0  }
0x14: {  	s2 =	sld [smem:$0x3F98];
	s0 =	simm.s32 @p1 $0x1  }
0x15: {  	[smem:$0x3FB5] =	sst s0;
	s0 =	simm.s32 @!p2 $0x0  }
0x16: {  	s3 =	sld [smem:$0x3FDB];
	s0 =	simm.s32 @p2 $0x1  }
0x17: {  	s4 =	simm.s32 $0x1BF5;
	[smem:$0x3FB7] =	sst s0  }
0x18: {  	s0 =	sld [smem:$0x3F9A];
	_ =	swait.ge [sflag:s4], $0x0  }
0x19: {  	s7 =	sld [smem:$0x3F9B]  }
0x1a: {  	s8 =	sadd.s32 $0xFFFFE003, lr  }
0x1b: {  	s9 =	sadd.s32 $0xFFFFFEF7, lr;
	s5 =	simm.s32 $0xFFFFFFFF;
	p2 =	slt.u32 s8, $0xFFFFF086  }
0x1c: {  	p1 =	slt.u32 s9, $0xF7A;
	s5 =	simm.s32 @!p2 $0x0  }
0x1d: {  	s5 =	simm.s32 @p1 $0x1;
	p0 =	seq.s32 s7, s2  }
0x1e: {  	s7 =	smul.u32 @!p0 $0xF7A, s2;
	p2 =	seq.s32 @!p0 s5, $0x0  }
0x1f: {  	s9 =	smul.u32 $0xF7A, s1;
	s8 =	simm.s32 @!p0 $0x1BF5;
	p2 =	por !p2, p0  }
0x20: {  	[sflag:s8] =	ssyncset.s32 @!p0 $0xFFFFF086;
	s6 =	sadd.s32 @!p0 s3, s7;
	s7 =	simm.s32 @!p0 $0x108  }
0x21: {  	s3 =	sadd.s32 s3, s9;
	s6 =	sadd.s32 @!p0 $0x88, s6;
	s7 =	simm.s32 @p2 $0x1082  }
0x22: {  	[simem:s7], [sflag:s8] =	dma.local @!p0 [hbm:s6], $0xF7A  }
0x23: {  	s9 =	sor.u32 $0xD0000000, s2;
	s6 =	simm.s32 $0x108;
	_ =	swait.ge @!p0 [sflag:s8], $0x0  }
0x24: {  	s3 =	sadd.s32 $0x88, s3;
	s6 =	simm.s32 @!p1 $0x1082;
	[sflag:s4] =	ssyncset.s32 $0xFFFFF086  }
0x25: {  	[simem:s6], [sflag:s4] =	dma.local [hbm:s3], $0xF7A  }
0x26: {  	[smem:$0x3F9B] =	sst s1;
	(tag) =	ssettag s2;
	_ =	strace s9  }
0x27: {  	s1 =	sld [smem:$0x3FAB]  }
0x28: {  	s2 =	sld [smem:$0x3FAC]  }
0x29: {  	s4 =	sld [smem:$0x3FAE]  }
0x2a: {  	p0 =	seq.s32 s5, $0x0;
	s5 =	sld [smem:$0x3FAF]  }
0x2b: {  	s6 =	sld [smem:$0x3FB0]  }
0x2c: {  	s7 =	sld [smem:$0x3FB1]  }
0x2d: {  	s3 =	simm.s32 $0x108;
	s8 =	sld [smem:$0x3FB2]  }
0x2e: {  	s3 =	simm.s32 @!p0 $0x1082;
	s9 =	sld [smem:$0x3FB3]  }
0x2f: {  	lr =	sadd.s32 s0, s3;
	s0 =	sld [smem:$0x3FAA]  }
0x30: {  	s3 =	sld [smem:$0x3FAD]  }
0x31: {  	[smem:$0x3FB6] =	sst s10  }
0x32: {  	s10 =	sld [smem:$0x3FB4];
	_ =	sdelay $0x3  }
0x33: {  	p0 =	seq.s32 s10, $0x1;
	s10 =	sld [smem:$0x3FB6];
	_ =	sdelay $0x3  }
0x34: {  	[smem:$0x3FB6] =	sst s10  }
0x35: {  	s10 =	sld [smem:$0x3FB5];
	_ =	sdelay $0x3  }
0x36: {  	p1 =	seq.s32 s10, $0x1;
	s10 =	sld [smem:$0x3FB6];
	_ =	sdelay $0x3  }
0x37: {  	[smem:$0x3FB6] =	sst s10  }
0x38: {  	s10 =	sld [smem:$0x3FB7]  }
0x39: {  	_ = 	snop;
	(pc) =	sbr.ind lr, $3  }
0x3a: {  	_ = 	snop  }
0x3b: {  	_ = 	snop  }
0x3c: {  	p2 =	seq.s32 s10, $0x1;
	s10 =	sld [smem:$0x3FB6]  }
0x3d: {  	_ =	shalt  }
0x3e: {  	_ =	shalt  }
0x3f: {  	_ =	shalt  }
0x40: {  	_ =	shalt  }
0x41: {  	_ =	shalt  }
0x42: {  	_ =	shalt  }
0x43: {  	_ =	shalt  }
0x44: {  	_ =	shalt  }
0x45: {  	_ =	shalt  }
0x46: {  	_ =	shalt  }
0x47: {  	_ =	shalt  }
0x48: {  	_ =	shalt  }
0x49: {  	_ =	shalt  }
0x4a: {  	_ =	shalt  }
0x4b: {  	_ =	shalt  }
0x4c: {  	_ =	shalt  }
0x4d: {  	_ =	shalt  }
0x4e: {  	_ =	shalt  }
0x4f: {  	_ =	shalt  }
0x50: {  	_ =	shalt  }
0x51: {  	_ =	shalt  }
0x52: {  	_ =	shalt  }
0x53: {  	_ =	shalt  }
0x54: {  	_ =	shalt  }
0x55: {  	_ =	shalt  }
0x56: {  	_ =	shalt  }
0x57: {  	_ =	shalt  }
0x58: {  	_ =	shalt  }
0x59: {  	_ =	shalt  }
0x5a: {  	_ =	shalt  }
0x5b: {  	_ =	shalt  }
0x5c: {  	_ =	shalt  }
0x5d: {  	_ =	shalt  }
0x5e: {  	_ =	shalt  }
0x5f: {  	_ =	shalt  }
0x60: {  	_ =	shalt  }
0x61: {  	_ =	shalt  }
0x62: {  	_ =	shalt  }
0x63: {  	_ =	shalt  }
0x64: {  	_ =	shalt  }
0x65: {  	_ =	shalt  }
0x66: {  	_ =	shalt  }
0x67: {  	_ =	shalt  }
0x68: {  	_ =	shalt  }
0x69: {  	_ =	shalt  }
0x6a: {  	_ =	shalt  }
0x6b: {  	_ =	shalt  }
0x6c: {  	_ =	shalt  }
0x6d: {  	_ =	shalt  }
0x6e: {  	_ =	shalt  }
0x6f: {  	_ =	shalt  }
0x70: {  	_ =	shalt  }
0x71: {  	_ =	shalt  }
0x72: {  	_ =	shalt  }
0x73: {  	_ =	shalt  }
0x74: {  	_ =	shalt  }
0x75: {  	_ =	shalt  }
0x76: {  	_ =	shalt  }
0x77: {  	_ =	shalt  }
0x78: {  	_ =	shalt  }
0x79: {  	_ =	shalt  }
0x7a: {  	_ =	shalt  }
0x7b: {  	_ =	shalt  }
0x7c: {  	_ =	shalt  }
0x7d: {  	_ =	shalt  }
0x7e: {  	_ =	shalt  }
0x7f: {  	_ =	shalt  }
0x80: {  	_ =	shalt  }
0x81: {  	_ =	shalt  }
0x82: {  	_ =	shalt  }
0x83: {  	_ =	shalt  }
0x84: {  	_ =	shalt  }
0x85: {  	_ =	shalt  }
0x86: {  	_ =	shalt  }
0x87: {  	_ =	shalt  }
.Lfunc_end0:
.L_simem_size_0:
called_computation_lowered:
.L_overlay_start_0:
0x88: {  	s2 =	sld [smem:$0x3FD9]  }
0x89: {  	s3 =	sld [smem:$0x3FFE];
	_ =	sdelay $0x1  }
0x8a: {  	s1 =	srdreg.scid  }
0x8b: {  	s0 =	sand.u32 $0x1, s1  }
0x8c: {  	s14 =	sshll.u32 s0, $0xA;
	s2 =	sadd.s32 s3, s2  }
0x8d: {  	s2 =	sadd.s32 s2, s14  }
0x8e: {  	[smem:$0x3FC2] =	sst s2  }
0x8f: {  	_ = 	snop  }
0x90: {  	s2 =	sld [smem:$0x3FD0];
	_ =	sdelay $0x1  }
0x91: {  	s15 =	sld [smem:$0x3FC6]  }
0x92: {  	s5 =	simm.s32 $0xA;
	s6 =	simm.s32 $0x10;
	s4 =	sld [smem:$0x3FC5]  }
0x93: {  	[smem:s6], [sflag:s5] =	dma.local [hbm:s2], $0x1  }
0x94: {  	_ =	swait.eq [sflag:s5], $0x1  }
0x95: {  	[sflag:s5] =	ssyncset.done $0x0  }
0x96: {  	[sflag:s5] =	ssyncadd.s32 $0xFFFFFFFF  }
0x97: {  	s16 =	sld [smem:$0x10];
	(tm) =	ssettm $0x1  }
0x98: {  	s17 =	sld [smem:$0x3FFB];
	_ =	sdelay $0x3  }
0x99: {  	_ =	strace s17  }
0x9a: {  	s5 =	sld [smem:$0x3FFC];
	_ =	sdelay $0x3  }
0x9b: {  	_ =	strace s5  }
0x9c: {  	s5 =	sld [smem:$0x3FFD];
	_ =	sdelay $0x3  }
0x9d: {  	_ =	strace s5  }
0x9e: {  	_ =	strace $0x8FFFFFFF  }
0x9f: {  	s18 =	sld [smem:$0x3FDB];
	_ =	sdelay $0x1  }
0xa0: {  	s19 =	simm.s32 $_scs_section_size  }
0xa1: {  	s7 =	simm.s32 $_size__tile_overlayer_lowered;
	s8 =	simm.s32 $_tile_overlayer_lowered  }
0xa2: {  	s22 =	simm.s32 $0x1BFF;
	s21 =	sshll.u32 s8, $0x1;
	s5 =	sadd.s32 s19, s18  }
0xa3: {  	s9 =	simm.s32 $0x0;
	s20 =	sshll.u32 s7, $0x1;
	s7 =	sadd.s32 s21, s5  }
0xa4: {  	[timem:s9], [sflag:s22] =	dma.local [hbm:s7], s20  }
0xa5: {  	_ =	swait.ge [sflag:s22], s20  }
0xa6: {  	s6 =	ssub.s32 $0x0, s20;
	[sflag:s22] =	ssyncset.done $0x0  }
0xa7: {  	[sflag:s22] =	ssyncadd.s32 s6;
	_ =	sdelay $0x1  }
0xa8: {  	s23 =	simm.s32 $0x1B8B  }
0xa9: {  	_ =	swait.ge [sflag:s23], $0x1  }
0xaa: {  	[sflag:s23] =	ssyncset.done $0x0  }
0xab: {  	s25 =	simm.s32 $0x1B8E;
	s24 =	sld [smem:$0x3FFE];
	[sflag:s23] =	ssyncadd.s32 $0xFFFFFFFF  }
0xac: {  	s26 =	simm.s32 $execute0_lowered;
	[smem:$0x3FD2] =	sst s25  }
0xad: {  	s7 =	sshll.u32 s26, $0x1;
	_ =	strace $0x80000046;
	[dreg:$0x1] =	wrdreg $0xFFFFFFFF  }
0xae: {  	s28 =	simm.s32 $_size_execute0_lowered;
	s5 =	sadd.s32 s5, s7;
	[dreg:$0x0] =	wrdreg $0x0  }
0xaf: {  	s7 =	sshll.u32 s28, $0x1;
	[dreg:$0x2] =	wrdreg s5  }
0xb0: {  	[dreg:$0x3] =	wrdreg s7  }
0xb1: {  	[dreg:$0x4] =	wrdreg $0xC0  }
0xb2: {  	_ =	task [dreg:s9], $0x5FFFF  }
0xb3: {  	[dreg:$0x1] =	wrdreg $0xFFFFFFFF  }
0xb4: {  	[dreg:$0x0] =	wrdreg $0x60  }
0xb5: {  	[dreg:$0x2] =	wrdreg s4  }
0xb6: {  	[dreg:$0x3] =	wrdreg s15  }
0xb7: {  	[dreg:$0x4] =	wrdreg s24  }
0xb8: {  	[dreg:$0x5] =	wrdreg s16  }
0xb9: {  	[dreg:$0x6] =	wrdreg $0x9  }
0xba: {  	_ =	task.clear_ibuf [dreg:s9], $0x7FFFF;
	_ =	strace $0x90000046  }
0xbb: {  	s29 =	simm.s32 $0x9;
	_ =	strace $0x80000048  }
0xbc: {  	_ =	swait.ge [sflag:s29], $0x1  }
0xbd: {  	[sflag:s29] =	ssyncadd.s32 $0xFFFFFFFF  }
0xbe: {  	_ =	strace $0x90000048  }
0xbf: {  	_ =	sfence  }
0xc0: {  	s30 =	sld [smem:$0x0];
	_ =	sdelay $0x2  }
0xc1: {  	s31 =	sshll.u32 s1, $0xD;
	s1 =	sshrl.u32 s1, $0x2  }
0xc2: {  	s3 =	sand.u32 $0x4000, s31;
	s1 =	sadd.s32 s1, s30  }
0xc3: {  	s0 =	sor.u32 s3, s0;
	s1 =	sshll.u32 s1, $0x11  }
0xc4: {  	s0 =	sor.u32 s1, s0  }
0xc5: {  	s0 =	sadd.s32 $0x8F2B, s0  }
0xc6: {  	[sflag:s0] =	ssyncadd.remote.s32 $0x1  }
0xc7: {  	_ =	sfence.sel $0xFFFF  }
0xc8: {  	[dreg:$0x0] =	wrdreg $0xFFFFFFFF;
	(pc) =	sbr.abs _section_cstart, $3  }
0xc9: {  	[dreg:$0x1] =	wrdreg $0xFFFFFFFF  }
0xca: {  	_ =	task.clear_ibuf [dreg:s9], $0x2FFFF;
	_ =	strace $0x9FFFFFFF  }
0xcb: {  	(tm) =	ssettm $0x7FFFFFFF  }
tec
execute0_lowered:
.L_overlay_start_1:
0x0: {  	(tag) =	ssettag $0x1  }
0x1: {  	s0 =	rddreg [dreg:$0x1];
	s2 =	srdreg.scid  }
0x2: {  	s1 =	rddreg [dreg:$0x2];
	s3 =	stileid.u32;
	s2 =	sand.u32 $0x1, s2  }
0x3: {  	s6 =	simm.s32 $0x0;
	s4 =	sshll.u32 s3, $0x8;
	s5 =	sshll.u32 s2, $0x7  }
0x4: {  	[smem:$0x7FF] =	sst s6;
	s2 =	ssub.s32 $0x2, s2;
	s3 =	sor.u32 s5, s4  }
0x5: {  	_ =	strace $0x80000047;
	s28 =	sshrl.u32 s2, $0x1;
	s29 =	sshrl.u32 s3, $0x3  }
0x6: {  	[dreg:$0x5] =	wrdreg s3;
	s2 =	ssub.s32 s2, s28;
	s0 =	sadd.s32 s0, s29  }
0x7: {  	s1 =	sadd.s32 s3, s1;
	s31 =	smax.u32 s2, $0x1;
	[dreg:$0x6] =	wrdreg s0  }
0x8: {  	s11 =	simm.s32 $0x400;
	s30 =	sadd.s32 $0xE00, s1;
	[dreg:$0x8] =	wrdreg s31  }
0x9: {  	s13 =	simm.s32 $0x14080;
	[dreg:$0x7] =	wrdreg s30;
	s0 =	sadd.s32 $0x2000, s30  }
0xa: {  	s16 =	simm.s32 $0x80;
	s2 =	simm.s32 $0x0;
	[dreg:$0x9] =	wrdreg s0  }
.LBB2_1:
0xb: {  	[dreg:$0xa] =	wrdreg s2  }
0xc: {  	s0 =	rddreg [dreg:$0x0];
	s1 =	simm.s32 $0x0;
	s25 =	simm.s32 $0x5  }
0xd: {  	[tilespmem:s1], [sflag:$0x5] =	stream.linear.gather [hbm4b:s0+s1], $0x14000, $0x38;
	[tilespmem:$0x1AC80] =	vst v63  }
0xe: {  	_ =	swait.ge [sflag:s25], $0x14000  }
0xf: {  	[sflag:s25] =	ssyncset.done $0x0  }
0x10: {  	s3 =	simm.s32 $0x14000;
	s26 =	rddreg [dreg:$0x6];
	[sflag:s25] =	ssyncadd.s32 $0xFFFEC000  }
0x11: {  	[tilespmem:s3], [sflag:$0x5] =	stream.linear.gather [hbm4b:s26+s1], $0x80, $0x38;
	[tilespmem:$0x1AC80] =	vst v63  }
0x12: {  	_ =	swait.ge [sflag:s25], $0x80  }
0x13: {  	[sflag:s25] =	ssyncset.done $0x0  }
0x14: {  	s29 =	simm.s32 $0x8000;
	s28 =	rddreg [dreg:$0x7];
	[sflag:s25] =	ssyncadd.s32 $0xFFFFFF80  }
0x15: {  	[tilespmem:s13], [sflag:$0x5] =	stream.strided.gather [hbm4b:s28+s11], $0x800, s29, s11, $0x38;
	[tilespmem:$0x1AC80] =	vst v63  }
0x16: {  	s31 =	simm.s32 $0x14880;
	s30 =	rddreg [dreg:$0x9]  }
0x17: {  	[tilespmem:s31], [sflag:$0x5] =	stream.linear.gather [hbm4b:s30+s1], $0x280, $0x38;
	[tilespmem:$0x1AC80] =	vst v63  }
0x18: {  	_ =	swait.ge [sflag:s25], $0xA80  }
0x19: {  	[sflag:s25] =	ssyncset.done $0x0  }
0x1a: {  	s12 =	simm.s32 $0x0;
	[sflag:s25] =	ssyncadd.s32 $0xFFFFF580  }
.LBB2_2:
0x1b: {  	s15 =	sshll.u32 s12, $0x2  }
0x1c: {  	p0 =	seq.s32 s12, $0x0;
	v9 =	vmov s15  }
0x1d: {  	s0 =	simm.s32 @!p0 $0x1  }
0x1e: {  	_ =	swait.ge @!p0 [sflag:s0], $0x1800  }
0x1f: {  	[sflag:s0] =	ssyncset.done @!p0 $0x0  }
0x20: {  	s25 =	simm.s32 $0x14000;
	[sflag:s0] =	ssyncadd.s32 @!p0 $0xFFFFE800  }
0x21: {  	v0 =	vld.idx.msk [tilespmem:v9+s25+$0x0], $0xffff;
	_ =	sdelay $0x4  }
0x22: {  	v0 =	vxor.u32 $0x80000000, v0  }
0x23: {  	(xrf0) =	vmax.scan.msk.u32 $0xffff, v0;
	_ =	sdelay $0x5  }
0x24: {  	v0, _, _ =	vpop (xrf0)  }
0x25: {  	(v2sf) =	vpush v0, $0xF;
	_ =	sdelay $0x6  }
0x26: {  	v0 =	vor.u32 $0x80, v9  }
0x27: {  	v1 =	vor.u32 $0x100, v9  }
0x28: {  	v2 =	vor.u32 $0x180, v9  }
0x29: {  	v4 =	vor.u32 $0x200, v9  }
0x2a: {  	v7 =	vor.u32 $0x280, v9;
	v3 =	vld.idx.msk [tilespmem:v9+s13+$0x0], $0xffff  }
0x2b: {  	v10 =	vor.u32 $0x300, v9;
	v6 =	vld.idx.msk [tilespmem:v0+s13+$0x0], $0xffff  }
0x2c: {  	v0 =	vld.idx.msk [tilespmem:v1+s13+$0x0], $0xffff;
	v1 =	vor.u32 $0x380, v9  }
0x2d: {  	v11 =	vor.u32 $0x400, v9;
	v5 =	vld.idx.msk [tilespmem:v2+s13+$0x0], $0xffff  }
0x2e: {  	v8 =	vld.idx.msk [tilespmem:v4+s13+$0x0], $0xffff;
	s26 =	spop (v2sf)  }
0x2f: {  	s1 =	simm.s32 $0x0;
	v2 =	vld.idx.msk [tilespmem:v7+s13+$0x0], $0xffff;
	s0 =	sshll.u32 s26, $0xF  }
0x30: {  	s28 =	sand.u32 $0x1E00, s1;
	v4 =	vld.idx.msk [tilespmem:v10+s13+$0x0], $0xffff;
	s14 =	sshra.s32 s0, $0x2  }
0x31: {  	s6 =	sand.u32 $0x40, s1;
	v7 =	vld.idx.msk [tilespmem:v1+s13+$0x0], $0xffff;
	s0 =	sadd.s32 s28, s14  }
0x32: {  	s4 =	sor.u32 $0x20, s6;
	v1 =	vld.idx.msk [tilespmem:v11+s13+$0x0], $0xffff;
	s2 =	sadd.s32 s6, s0  }
0x33: {  	s8 =	sor.u32 $0x30, s6;
	s9 =	sadd.s32 s4, s0;
	v10 =	vld [tilespmem:s2+$0x100]  }
0x34: {  	s17 =	sadd.s32 s8, s0;
	v11 =	vld [tilespmem:s9+$0x0]  }
0x35: {  	v12 =	vld [tilespmem:s17+$0x0]  }
0x36: {  	v19 =	vld [tilespmem:s17+$0x80]  }
0x37: {  	v32 =	vld [tilespmem:s9+$0x100]  }
0x38: {  	v16 =	vld [tilespmem:s2+$0x80];
	v15 =	vmul.f32 v10, v2;
	v30 =	vmul.f32 v10, v0  }
0x39: {  	v24 =	vld [tilespmem:s9+$0x80];
	v13 =	vmul.f32 v10, v1;
	v23 =	vmul.f32 v11, v3  }
0x3a: {  	s7 =	sor.u32 $0x10, s6;
	v29 =	vor.u32 $0xA00, v9;
	v25 =	vmul.f32 v12, v3;
	v18 =	vmul.f32 v12, v5  }
0x3b: {  	s20 =	sadd.s32 s7, s0;
	v31 =	vld [tilespmem:s2+$0x0];
	v10 =	vor.u32 $0x900, v9;
	v12 =	vmul.f32 v12, v4;
	v21 =	vmul.f32 v19, v7  }
0x3c: {  	v17 =	vld [tilespmem:s20+$0x80];
	v26 =	vmul.f32 v11, v5;
	v27 =	vmul.f32 v32, v2  }
0x3d: {  	v20 =	vor.u32 $0x980, v9;
	v33 =	vmul.f32 v16, v6;
	v28 =	vmul.f32 v19, v8  }
0x3e: {  	v14 =	vld [tilespmem:s20+$0x100];
	v34 =	vmul.f32 v24, v6;
	v35 =	vmul.f32 v32, v0  }
0x3f: {  	v36 =	vmul.f32 v24, v8;
	v63 =	vmul.f32 v11, v4;
	v11 =	vld.idx.msk [tilespmem:v29+s13+$0x0], $0xffff  }
0x40: {  	v62 =	vmul.f32 v24, v7;
	v24 =	vmul.f32 v31, v3;
	v9 =	vld.idx.msk [tilespmem:v10+s13+$0x0], $0xffff  }
0x41: {  	v22 =	vmul.f32 v17, v6;
	v37 =	vmul.f32 v19, v6;
	v19 =	vld [tilespmem:s17+$0x100];
	v34 =	vadd.f32 v34, v23  }
0x42: {  	v29 =	vmul.f32 v16, v8;
	v26 =	vadd.f32 v36, v26;
	v33 =	vadd.f32 v33, v24;
	v10 =	vld.idx.msk [tilespmem:v20+s13+$0x0], $0xffff  }
0x43: {  	s21 =	sand.u32 $0x780, s1;
	v32 =	vmul.f32 v32, v1;
	v24 =	vadd.f32 v37, v25;
	v25 =	vld [tilespmem:s20+$0x0];
	v34 =	vadd.f32 v35, v34  }
0x44: {  	s30 =	simm.s32 $0x0;
	s23 =	sadd.s32 $0x14C80, s21;
	s19 =	sadd.s32 $0x15480, s21;
	v12 =	vadd.f32 v21, v12;
	v18 =	vadd.f32 v28, v18;
	v21 =	vmul.f32 v14, v0  }
0x45: {  	s22 =	simm.s32 $0x0;
	s18 =	sor.u32 s6, s19;
	s29 =	sor.u32 s4, s23;
	v23 =	vmul.f32 v17, v8;
	v26 =	vadd.f32 v27, v26;
	v34 =	vadd.f32 v34, v9  }
0x46: {  	s24 =	sor.u32 s4, s19;
	s1 =	sor.u32 s7, s23;
	s31 =	sor.u32 s8, s23;
	v28 =	vmul.f32 v31, v5;
	v27 =	vmul.f32 v31, v4;
	v30 =	vadd.f32 v30, v33  }
0x47: {  	s0 =	simm.s32 $0x40;
	s2 =	simm.s32 $0x100;
	s9 =	sor.u32 s7, s19;
	v31 =	vadd.f32 v62, v63;
	v20 =	vmul.f32 v14, v2;
	v26 =	vadd.f32 v26, v10;
	[tilespmem:s29+$0x0] =	vst v34  }
.LBB2_3:
0x48: {  	s20 =	sand.u32 $0x40, s0;
	s17 =	sand.u32 $0x1E00, s2;
	s30 =	sadd.s32 $0x4, s30;
	v28 =	vadd.f32 v29, v28;
	v29 =	vmul.f32 v25, v3;
	v33 =	vmul.f32 v19, v2  }
0x49: {  	v34 =	vmul.f32 v25, v5;
	s26 =	sadd.s32 s17, s14;
	s28 =	sor.u32 $0x10, s20;
	s29 =	sor.u32 $0x20, s20;
	v30 =	vadd.f32 v30, v9;
	v31 =	vadd.f32 v32, v31  }
0x4a: {  	v16 =	vmul.f32 v16, v7;
	s25 =	sadd.s32 s20, s26;
	s17 =	sadd.s32 s28, s26;
	s5 =	sadd.s32 s29, s26;
	v15 =	vadd.f32 v15, v28;
	v22 =	vadd.f32 v22, v29  }
0x4b: {  	s21 =	sadd.s32 $0x15C80, s21;
	v17 =	vmul.f32 v17, v7;
	s19 =	sor.u32 s8, s19;
	s23 =	sor.u32 $0x30, s20;
	v23 =	vadd.f32 v23, v34;
	v28 =	vld [tilespmem:s25+$0x100];
	[tilespmem:s22+$0x14C80] =	vst v30;
	v29 =	vadd.f32 v31, v11  }
0x4c: {  	s4 =	sor.u32 s4, s21;
	v27 =	vadd.f32 v16, v27;
	v16 =	vmul.f32 v25, v4;
	s22 =	sadd.s32 s23, s26;
	s26 =	sor.u32 s7, s21;
	v30 =	vld [tilespmem:s5+$0x0];
	v15 =	vadd.f32 v15, v10;
	[tilespmem:s24+$0x0] =	vst v26  }
0x4d: {  	p1 =	slt.u32 s30, $0x7C;
	s7 =	smov.u32 s28;
	v21 =	vadd.f32 v21, v22;
	v20 =	vadd.f32 v20, v23;
	v22 =	vmul.f32 v19, v0;
	v25 =	vld [tilespmem:s22+$0x0];
	[tilespmem:s4+$0x0] =	vst v29;
	s4 =	smov.u32 s29  }
0x4e: {  	v14 =	vmul.f32 v14, v1;
	v16 =	vadd.f32 v17, v16;
	v17 =	vadd.f32 v33, v18;
	v23 =	vld [tilespmem:s22+$0x100];
	[tilespmem:s18+$0x0] =	vst v15  }
0x4f: {  	v19 =	vmul.f32 v19, v1;
	v18 =	vadd.f32 v21, v9;
	v21 =	vadd.f32 v22, v24;
	v26 =	vld [tilespmem:s22+$0x80]  }
0x50: {  	v14 =	vadd.f32 v14, v16;
	v22 =	vadd.f32 v17, v10;
	v15 =	vmul.f32 v28, v2;
	v32 =	vld [tilespmem:s5+$0x100]  }
0x51: {  	v20 =	vadd.f32 v20, v10;
	v31 =	vmul.f32 v28, v0;
	v24 =	vmul.f32 v28, v1;
	v16 =	vld [tilespmem:s25+$0x80]  }
0x52: {  	v21 =	vadd.f32 v21, v9;
	v29 =	vmul.f32 v30, v3;
	v28 =	vld [tilespmem:s5+$0x80];
	[tilespmem:s1+$0x0] =	vst v18;
	v18 =	vadd.f32 v14, v11  }
0x53: {  	v13 =	vadd.f32 v13, v27;
	v33 =	vmul.f32 v25, v3;
	v34 =	vmul.f32 v25, v5;
	v17 =	vld [tilespmem:s17+$0x80];
	[tilespmem:s9+$0x0] =	vst v20  }
0x54: {  	v12 =	vadd.f32 v19, v12;
	v20 =	vmul.f32 v25, v4;
	v14 =	vld [tilespmem:s17+$0x100];
	v25 =	vmul.f32 v26, v7;
	[tilespmem:s31+$0x0] =	vst v21  }
0x55: {  	v13 =	vadd.f32 v13, v11;
	v27 =	vmul.f32 v30, v5;
	v35 =	vmul.f32 v32, v2;
	[tilespmem:s19+$0x0] =	vst v22  }
0x56: {  	v38 =	vadd.f32 v12, v11;
	v21 =	vmul.f32 v26, v8;
	v36 =	vld [tilespmem:s25+$0x0];
	v37 =	vmul.f32 v16, v6;
	[tilespmem:s26+$0x0] =	vst v18  }
0x57: {  	s1 =	sor.u32 s6, s21;
	s5 =	sor.u32 s8, s21;
	s6 =	smov.u32 s20;
	v19 =	vmovc v23;
	v40 =	vmul.f32 v32, v0;
	v12 =	vadd.f32 v25, v20;
	v39 =	vmul.f32 v28, v6  }
0x58: {  	s8 =	smov.u32 s23;
	v18 =	vadd.f32 v21, v34;
	v25 =	vmul.f32 v28, v8;
	v22 =	vmul.f32 v17, v6;
	[tilespmem:s1+$0x0] =	vst v13  }
0x59: {  	v21 =	vmul.f32 v14, v0;
	v20 =	vmul.f32 v14, v2;
	v29 =	vadd.f32 v39, v29;
	[tilespmem:s5+$0x0] =	vst v38  }
0x5a: {  	v34 =	vmul.f32 v28, v7;
	v23 =	vmul.f32 v17, v8;
	v13 =	vmovc v24;
	v27 =	vadd.f32 v25, v27  }
.Ltmp0:
0x5b: {  	v24 =	vmul.f32 v36, v3;
	v28 =	vmul.f32 v36, v5;
	v25 =	vld [tilespmem:s17+$0x0];
	v38 =	vadd.f32 v40, v29;
	(pc) =	sbr.rel @p1 .LBB2_3-.Ltmp0, $4  }
0x5c: {  	s22 =	sshra.s32 s2, $0x2;
	s21 =	sand.u32 $0x780, s0;
	s0 =	sadd.s32 $0x40, s0;
	v39 =	vmul.f32 v30, v4;
	v30 =	vmul.f32 v26, v6;
	v35 =	vadd.f32 v35, v27  }
0x5d: {  	s2 =	sadd.s32 $0x100, s2;
	s19 =	sadd.s32 $0x15480, s21;
	s5 =	sadd.s32 $0x14C80, s21;
	v29 =	vmul.f32 v16, v8;
	v37 =	vadd.f32 v37, v24;
	v38 =	vadd.f32 v38, v9  }
0x5e: {  	s18 =	sor.u32 s6, s19;
	s24 =	sor.u32 s4, s19;
	v27 =	vmul.f32 v36, v4;
	s17 =	sor.u32 s4, s5;
	v26 =	vadd.f32 v35, v10;
	v24 =	vadd.f32 v30, v33  }
0x5f: {  	v32 =	vmul.f32 v32, v1;
	s9 =	sor.u32 s7, s19;
	s1 =	sor.u32 s7, s5;
	s31 =	sor.u32 s8, s5;
	v30 =	vadd.f32 v31, v37;
	[tilespmem:s17+$0x0] =	vst v38;
	v31 =	vadd.f32 v34, v39  }
0x60: {  	v6 =	vadd.f32 v29, v28  }
0x61: {  	v3 =	vmul.f32 v25, v3;
	v5 =	vmul.f32 v25, v5;
	v8 =	vadd.f32 v30, v9  }
0x62: {  	v0 =	vmul.f32 v19, v0;
	v28 =	vadd.f32 v32, v31;
	v6 =	vadd.f32 v15, v6  }
0x63: {  	v2 =	vmul.f32 v19, v2;
	v3 =	vadd.f32 v22, v3;
	v5 =	vadd.f32 v23, v5  }
0x64: {  	s0 =	sadd.s32 $0x15C80, s21;
	[tilespmem:s24+$0x0] =	vst v26;
	v15 =	vmul.f32 v16, v7;
	v0 =	vadd.f32 v0, v24;
	v16 =	vadd.f32 v28, v11  }
0x65: {  	v4 =	vmul.f32 v25, v4;
	s2 =	sor.u32 s4, s0;
	v2 =	vadd.f32 v2, v18;
	[tilespmem:s22+$0x14C80] =	vst v8;
	v6 =	vadd.f32 v6, v10  }
0x66: {  	v7 =	vmul.f32 v17, v7;
	v3 =	vadd.f32 v21, v3;
	v0 =	vadd.f32 v0, v9;
	[tilespmem:s2+$0x0] =	vst v16  }
0x67: {  	v5 =	vadd.f32 v20, v5;
	v2 =	vadd.f32 v2, v10;
	[tilespmem:s18+$0x0] =	vst v6  }
0x68: {  	s5 =	sor.u32 s8, s19;
	v4 =	vadd.f32 v7, v4;
	v7 =	vmul.f32 v14, v1;
	v3 =	vadd.f32 v3, v9;
	[tilespmem:s31+$0x0] =	vst v0  }
0x69: {  	v1 =	vmul.f32 v19, v1;
	v5 =	vadd.f32 v5, v10;
	[tilespmem:s5+$0x0] =	vst v2  }
0x6a: {  	v8 =	vadd.f32 v15, v27;
	v4 =	vadd.f32 v7, v4;
	[tilespmem:s1+$0x0] =	vst v3  }
0x6b: {  	s14 =	rddreg [dreg:$0x3];
	v0 =	vadd.f32 v1, v12;
	[tilespmem:s9+$0x0] =	vst v5  }
0x6c: {  	s7 =	sor.u32 s7, s0;
	v3 =	vadd.f32 v13, v8;
	v4 =	vadd.f32 v4, v11;
	s1 =	rddreg [dreg:$0x5]  }
0x6d: {  	s10 =	sor.u32 s6, s0;
	v0 =	vadd.f32 v0, v11;
	s9 =	sshll.u32 s12, $0x6;
	s1 =	sadd.s32 s1, s15  }
0x6e: {  	s0 =	sor.u32 s8, s0;
	v1 =	vadd.f32 v3, v11;
	[tilespmem:s7+$0x0] =	vst v4;
	s4 =	sand.u32 $0x40, s9;
	s1 =	sshll.u32 s1, $0x8  }
0x6f: {  	[tilespmem:s0+$0x0] =	vst v0;
	s6 =	sand.u32 $0xFF800, s1;
	s1 =	sadd.s32 s14, s4  }
0x70: {  	s18 =	simm.s32 $0x14C80;
	[tilespmem:s10+$0x0] =	vst v1;
	s17 =	sadd.s32 s6, s1  }
0x71: {  	[hbm4b:s17+s16] =	stream.strided.scatter [tilespmem:s18], [sflag:$0x1], $0x800, s11, s16, $0x38;
	[tilespmem:$0x1AC80] =	vst v63  }
0x72: {  	s20 =	simm.s32 $0x15480;
	s19 =	sadd.s32 $0x100000, s17  }
0x73: {  	[hbm4b:s19+s16] =	stream.strided.scatter [tilespmem:s20], [sflag:$0x1], $0x800, s11, s16, $0x38;
	[tilespmem:$0x1AC80] =	vst v63  }
0x74: {  	s21 =	simm.s32 $0x15C80;
	s8 =	sor.u32 $0x1, s15;
	s0 =	sadd.s32 $0x200000, s17  }
0x75: {  	v9 =	vmov s8;
	[hbm4b:s0+s16] =	stream.strided.scatter [tilespmem:s21], [sflag:$0x1], $0x800, s11, s16, $0x38;
	[tilespmem:$0x1AC80] =	vst v63  }
0x76: {  	s0 =	simm.s32 @!p0 $0x2  }
0x77: {  	_ =	swait.ge @!p0 [sflag:s0], $0x1800  }
0x78: {  	[sflag:s0] =	ssyncset.done @!p0 $0x0  }
0x79: {  	s22 =	simm.s32 $0x14000;
	[sflag:s0] =	ssyncadd.s32 @!p0 $0xFFFFE800  }
0x7a: {  	v0 =	vld.idx.msk [tilespmem:v9+s22+$0x0], $0xffff;
	_ =	sdelay $0x4  }
0x7b: {  	v0 =	vxor.u32 $0x80000000, v0  }
0x7c: {  	(xrf0) =	vmax.scan.msk.u32 $0xffff, v0;
	_ =	sdelay $0x5  }
0x7d: {  	v0, _, _ =	vpop (xrf0)  }
0x7e: {  	(v2sf) =	vpush v0, $0xF;
	_ =	sdelay $0x6  }
0x7f: {  	v0 =	vor.u32 $0x80, v9  }
0x80: {  	v1 =	vor.u32 $0x100, v9  }
0x81: {  	v2 =	vor.u32 $0x180, v9  }
0x82: {  	v4 =	vor.u32 $0x200, v9  }
0x83: {  	v7 =	vor.u32 $0x280, v9;
	v3 =	vld.idx.msk [tilespmem:v9+s13+$0x0], $0xffff  }
0x84: {  	v10 =	vor.u32 $0x300, v9;
	v6 =	vld.idx.msk [tilespmem:v0+s13+$0x0], $0xffff  }
0x85: {  	v0 =	vld.idx.msk [tilespmem:v1+s13+$0x0], $0xffff;
	v1 =	vor.u32 $0x380, v9  }
0x86: {  	v11 =	vor.u32 $0x400, v9;
	v5 =	vld.idx.msk [tilespmem:v2+s13+$0x0], $0xffff  }
0x87: {  	v8 =	vld.idx.msk [tilespmem:v4+s13+$0x0], $0xffff;
	s23 =	spop (v2sf)  }
0x88: {  	s24 =	simm.s32 $0x0;
	v2 =	vld.idx.msk [tilespmem:v7+s13+$0x0], $0xffff;
	s0 =	sshll.u32 s23, $0xF  }
0x89: {  	s25 =	sand.u32 $0x1E00, s24;
	v4 =	vld.idx.msk [tilespmem:v10+s13+$0x0], $0xffff;
	s31 =	sshra.s32 s0, $0x2  }
0x8a: {  	s14 =	sand.u32 $0x40, s24;
	v7 =	vld.idx.msk [tilespmem:v1+s13+$0x0], $0xffff;
	s0 =	sadd.s32 s25, s31  }
0x8b: {  	s30 =	sor.u32 $0x20, s14;
	v1 =	vld.idx.msk [tilespmem:v11+s13+$0x0], $0xffff;
	s26 =	sadd.s32 s14, s0  }
0x8c: {  	s7 =	sor.u32 $0x30, s14;
	s5 =	sadd.s32 s30, s0;
	v10 =	vld [tilespmem:s26+$0x100]  }
0x8d: {  	s17 =	sadd.s32 s7, s0;
	v12 =	vld [tilespmem:s5+$0x0]  }
0x8e: {  	v11 =	vld [tilespmem:s17+$0x0]  }
0x8f: {  	v19 =	vld [tilespmem:s17+$0x80]  }
0x90: {  	v61 =	vld [tilespmem:s5+$0x100]  }
0x91: {  	v16 =	vld [tilespmem:s26+$0x80];
	v15 =	vmul.f32 v10, v2;
	v30 =	vmul.f32 v10, v0  }
0x92: {  	v24 =	vld [tilespmem:s5+$0x80];
	v13 =	vmul.f32 v10, v1;
	v23 =	vmul.f32 v12, v3  }
0x93: {  	v29 =	vor.u32 $0xA00, v9;
	s4 =	sor.u32 $0x10, s14;
	v25 =	vmul.f32 v11, v3;
	v18 =	vmul.f32 v11, v5  }
0x94: {  	s28 =	sadd.s32 s4, s0;
	v31 =	vld [tilespmem:s26+$0x0];
	v10 =	vor.u32 $0x900, v9;
	v11 =	vmul.f32 v11, v4;
	v21 =	vmul.f32 v19, v7  }
0x95: {  	v17 =	vld [tilespmem:s28+$0x80];
	v26 =	vmul.f32 v12, v5;
	v27 =	vmul.f32 v61, v2  }
0x96: {  	v20 =	vor.u32 $0x980, v9;
	v33 =	vmul.f32 v16, v6;
	v28 =	vmul.f32 v19, v8  }
0x97: {  	v14 =	vld [tilespmem:s28+$0x100];
	v34 =	vmul.f32 v24, v6;
	v35 =	vmul.f32 v61, v0  }
0x98: {  	v36 =	vmul.f32 v24, v8;
	v63 =	vmul.f32 v12, v4;
	v12 =	vld.idx.msk [tilespmem:v29+s13+$0x0], $0xffff  }
0x99: {  	v62 =	vmul.f32 v24, v7;
	v24 =	vmul.f32 v31, v3;
	v9 =	vld.idx.msk [tilespmem:v10+s13+$0x0], $0xffff  }
0x9a: {  	v22 =	vmul.f32 v17, v6;
	v37 =	vmul.f32 v19, v6;
	v19 =	vld [tilespmem:s17+$0x100];
	v34 =	vadd.f32 v34, v23  }
0x9b: {  	v29 =	vmul.f32 v16, v8;
	v26 =	vadd.f32 v36, v26;
	v33 =	vadd.f32 v33, v24;
	v10 =	vld.idx.msk [tilespmem:v20+s13+$0x0], $0xffff  }
0x9c: {  	s23 =	sand.u32 $0x780, s24;
	v32 =	vmul.f32 v61, v1;
	v24 =	vadd.f32 v37, v25;
	v25 =	vld [tilespmem:s28+$0x0];
	v34 =	vadd.f32 v35, v34  }
0x9d: {  	s2 =	simm.s32 $0x40;
	s9 =	simm.s32 $0x100;
	s21 =	sadd.s32 $0x16C80, s23;
	v11 =	vadd.f32 v21, v11;
	v18 =	vadd.f32 v28, v18;
	v21 =	vmul.f32 v14, v0  }
0x9e: {  	s24 =	simm.s32 $0x0;
	s1 =	sadd.s32 $0x16480, s23;
	s20 =	sor.u32 s14, s21;
	v23 =	vmul.f32 v17, v8;
	v26 =	vadd.f32 v27, v26;
	v34 =	vadd.f32 v34, v9  }
0x9f: {  	s29 =	sor.u32 s30, s1;
	s18 =	sor.u32 s4, s1;
	s1 =	sor.u32 s7, s1;
	v28 =	vmul.f32 v31, v5;
	v27 =	vmul.f32 v31, v4;
	v30 =	vadd.f32 v30, v33  }
0xa0: {  	s0 =	simm.s32 $0x0;
	s26 =	sor.u32 s30, s21;
	s17 =	sor.u32 s4, s21;
	v31 =	vadd.f32 v62, v63;
	v20 =	vmul.f32 v14, v2;
	v26 =	vadd.f32 v26, v10;
	[tilespmem:s29+$0x0] =	vst v34  }
.LBB2_5:
0xa1: {  	s22 =	sand.u32 $0x40, s2;
	s5 =	sand.u32 $0x1E00, s9;
	s0 =	sadd.s32 $0x4, s0;
	v28 =	vadd.f32 v29, v28;
	v29 =	vmul.f32 v25, v3;
	v33 =	vmul.f32 v19, v2  }
0xa2: {  	v34 =	vmul.f32 v25, v5;
	s5 =	sadd.s32 s5, s31;
	s29 =	sor.u32 $0x10, s22;
	s3 =	sor.u32 $0x20, s22;
	v30 =	vadd.f32 v30, v9;
	v31 =	vadd.f32 v32, v31  }
0xa3: {  	v16 =	vmul.f32 v16, v7;
	s28 =	sadd.s32 s22, s5;
	s19 =	sadd.s32 s29, s5;
	s10 =	sadd.s32 s3, s5;
	v15 =	vadd.f32 v15, v28;
	v22 =	vadd.f32 v22, v29  }
0xa4: {  	s23 =	sadd.s32 $0x17480, s23;
	v17 =	vmul.f32 v17, v7;
	s21 =	sor.u32 s7, s21;
	s25 =	sor.u32 $0x30, s22;
	v23 =	vadd.f32 v23, v34;
	v28 =	vld [tilespmem:s28+$0x100];
	[tilespmem:s24+$0x16480] =	vst v30;
	v29 =	vadd.f32 v31, v12  }
0xa5: {  	s5 =	sadd.s32 s25, s5;
	v27 =	vadd.f32 v16, v27;
	v16 =	vmul.f32 v25, v4;
	s24 =	sor.u32 s4, s23;
	s4 =	sor.u32 s30, s23;
	v30 =	vld [tilespmem:s10+$0x0];
	v15 =	vadd.f32 v15, v10;
	[tilespmem:s26+$0x0] =	vst v26  }
0xa6: {  	p1 =	slt.u32 s0, $0x7C;
	s30 =	smov.u32 s3;
	v21 =	vadd.f32 v21, v22;
	v20 =	vadd.f32 v20, v23;
	v22 =	vmul.f32 v19, v0;
	v25 =	vld [tilespmem:s5+$0x0];
	[tilespmem:s4+$0x0] =	vst v29;
	s4 =	smov.u32 s29  }
0xa7: {  	v14 =	vmul.f32 v14, v1;
	v16 =	vadd.f32 v17, v16;
	v17 =	vadd.f32 v33, v18;
	v23 =	vld [tilespmem:s5+$0x100];
	[tilespmem:s20+$0x0] =	vst v15  }
0xa8: {  	v19 =	vmul.f32 v19, v1;
	v18 =	vadd.f32 v21, v9;
	v21 =	vadd.f32 v22, v24;
	v26 =	vld [tilespmem:s5+$0x80]  }
0xa9: {  	v14 =	vadd.f32 v14, v16;
	v22 =	vadd.f32 v17, v10;
	v15 =	vmul.f32 v28, v2;
	v32 =	vld [tilespmem:s10+$0x100]  }
0xaa: {  	v20 =	vadd.f32 v20, v10;
	v31 =	vmul.f32 v28, v0;
	v24 =	vmul.f32 v28, v1;
	v16 =	vld [tilespmem:s28+$0x80]  }
0xab: {  	v21 =	vadd.f32 v21, v9;
	v29 =	vmul.f32 v30, v3;
	v28 =	vld [tilespmem:s10+$0x80];
	[tilespmem:s18+$0x0] =	vst v18;
	v18 =	vadd.f32 v14, v12  }
0xac: {  	v13 =	vadd.f32 v13, v27;
	v33 =	vmul.f32 v25, v3;
	v34 =	vmul.f32 v25, v5;
	v17 =	vld [tilespmem:s19+$0x80];
	[tilespmem:s17+$0x0] =	vst v20  }
0xad: {  	v11 =	vadd.f32 v19, v11;
	v20 =	vmul.f32 v25, v4;
	v14 =	vld [tilespmem:s19+$0x100];
	v25 =	vmul.f32 v26, v7;
	[tilespmem:s1+$0x0] =	vst v21  }
0xae: {  	v13 =	vadd.f32 v13, v12;
	v27 =	vmul.f32 v30, v5;
	v35 =	vmul.f32 v32, v2;
	[tilespmem:s21+$0x0] =	vst v22  }
0xaf: {  	v38 =	vadd.f32 v11, v12;
	v21 =	vmul.f32 v26, v8;
	v36 =	vld [tilespmem:s28+$0x0];
	v37 =	vmul.f32 v16, v6;
	[tilespmem:s24+$0x0] =	vst v18  }
0xb0: {  	s3 =	sor.u32 s7, s23;
	v19 =	vmovc v23;
	s1 =	sor.u32 s14, s23;
	s14 =	smov.u32 s22;
	v40 =	vmul.f32 v32, v0;
	v11 =	vadd.f32 v25, v20;
	v39 =	vmul.f32 v28, v6  }
0xb1: {  	s7 =	smov.u32 s25;
	v18 =	vadd.f32 v21, v34;
	v25 =	vmul.f32 v28, v8;
	v22 =	vmul.f32 v17, v6;
	[tilespmem:s1+$0x0] =	vst v13  }
0xb2: {  	v21 =	vmul.f32 v14, v0;
	v20 =	vmul.f32 v14, v2;
	v29 =	vadd.f32 v39, v29;
	[tilespmem:s3+$0x0] =	vst v38  }
0xb3: {  	v34 =	vmul.f32 v28, v7;
	v23 =	vmul.f32 v17, v8;
	v13 =	vmovc v24;
	v27 =	vadd.f32 v25, v27  }
.Ltmp1:
0xb4: {  	v24 =	vmul.f32 v36, v3;
	v28 =	vmul.f32 v36, v5;
	v25 =	vld [tilespmem:s19+$0x0];
	v38 =	vadd.f32 v40, v29;
	(pc) =	sbr.rel @p1 .LBB2_5-.Ltmp1, $4  }
0xb5: {  	s23 =	sand.u32 $0x780, s2;
	s2 =	sadd.s32 $0x40, s2;
	s24 =	sshra.s32 s9, $0x2;
	v39 =	vmul.f32 v30, v4;
	v30 =	vmul.f32 v26, v6;
	v35 =	vadd.f32 v35, v27  }
0xb6: {  	s21 =	sadd.s32 $0x16C80, s23;
	s9 =	sadd.s32 $0x100, s9;
	s1 =	sadd.s32 $0x16480, s23;
	v29 =	vmul.f32 v16, v8;
	v37 =	vadd.f32 v37, v24;
	v38 =	vadd.f32 v38, v9  }
0xb7: {  	s20 =	sor.u32 s14, s21;
	s26 =	sor.u32 s30, s21;
	s3 =	sor.u32 s30, s1;
	v27 =	vmul.f32 v36, v4;
	v26 =	vadd.f32 v35, v10;
	v24 =	vadd.f32 v30, v33  }
0xb8: {  	v32 =	vmul.f32 v32, v1;
	s17 =	sor.u32 s4, s21;
	s18 =	sor.u32 s4, s1;
	s1 =	sor.u32 s7, s1;
	v30 =	vadd.f32 v31, v37;
	[tilespmem:s3+$0x0] =	vst v38;
	v31 =	vadd.f32 v34, v39  }
0xb9: {  	v6 =	vadd.f32 v29, v28;
	v3 =	vmul.f32 v25, v3  }
0xba: {  	v5 =	vmul.f32 v25, v5;
	v0 =	vmul.f32 v19, v0;
	v8 =	vadd.f32 v30, v9  }
0xbb: {  	v2 =	vmul.f32 v19, v2;
	v28 =	vadd.f32 v32, v31;
	v6 =	vadd.f32 v15, v6  }
0xbc: {  	v4 =	vmul.f32 v25, v4;
	v3 =	vadd.f32 v22, v3;
	v5 =	vadd.f32 v23, v5  }
0xbd: {  	v15 =	vmul.f32 v16, v7;
	v0 =	vadd.f32 v0, v24;
	v2 =	vadd.f32 v2, v18  }
0xbe: {  	s0 =	sadd.s32 $0x17480, s23;
	[tilespmem:s26+$0x0] =	vst v26;
	v7 =	vmul.f32 v17, v7;
	v16 =	vadd.f32 v28, v12;
	v6 =	vadd.f32 v6, v10  }
0xbf: {  	s2 =	sor.u32 s30, s0;
	[tilespmem:s24+$0x16480] =	vst v8;
	v8 =	vadd.f32 v15, v27;
	v3 =	vadd.f32 v21, v3  }
0xc0: {  	v4 =	vadd.f32 v7, v4;
	v7 =	vmul.f32 v14, v1;
	v0 =	vadd.f32 v0, v9;
	[tilespmem:s2+$0x0] =	vst v16  }
0xc1: {  	v5 =	vadd.f32 v20, v5;
	v1 =	vmul.f32 v19, v1;
	v2 =	vadd.f32 v2, v10;
	[tilespmem:s20+$0x0] =	vst v6  }
0xc2: {  	s5 =	sor.u32 s7, s21;
	v3 =	vadd.f32 v3, v9;
	v4 =	vadd.f32 v7, v4;
	[tilespmem:s1+$0x0] =	vst v0  }
0xc3: {  	v5 =	vadd.f32 v5, v10;
	v0 =	vadd.f32 v1, v11;
	[tilespmem:s5+$0x0] =	vst v2  }
0xc4: {  	[tilespmem:s18+$0x0] =	vst v3;
	v3 =	vadd.f32 v13, v8;
	v4 =	vadd.f32 v4, v12  }
0xc5: {  	s10 =	sshll.u32 s8, $0x4;
	s9 =	sor.u32 s4, s0;
	s14 =	sor.u32 s14, s0;
	v0 =	vadd.f32 v0, v12;
	[tilespmem:s17+$0x0] =	vst v5  }
0xc6: {  	s0 =	sor.u32 s7, s0;
	s2 =	sand.u32 $0x50, s10;
	s17 =	rddreg [dreg:$0x3];
	v1 =	vadd.f32 v3, v12;
	[tilespmem:s9+$0x0] =	vst v4  }
0xc7: {  	s1 =	sadd.s32 s17, s2;
	[tilespmem:s0+$0x0] =	vst v0  }
0xc8: {  	s19 =	simm.s32 $0x16480;
	s18 =	sadd.s32 s6, s1;
	[tilespmem:s14+$0x0] =	vst v1  }
0xc9: {  	[hbm4b:s18+s16] =	stream.strided.scatter [tilespmem:s19], [sflag:$0x2], $0x800, s11, s16, $0x38;
	[tilespmem:$0x1AC80] =	vst v63  }
0xca: {  	s21 =	simm.s32 $0x16C80;
	s20 =	sadd.s32 $0x100000, s18  }
0xcb: {  	[hbm4b:s20+s16] =	stream.strided.scatter [tilespmem:s21], [sflag:$0x2], $0x800, s11, s16, $0x38;
	[tilespmem:$0x1AC80] =	vst v63  }
0xcc: {  	s8 =	sor.u32 $0x2, s15;
	s22 =	simm.s32 $0x17480;
	s0 =	sadd.s32 $0x200000, s18  }
0xcd: {  	v9 =	vmov s8;
	[hbm4b:s0+s16] =	stream.strided.scatter [tilespmem:s22], [sflag:$0x2], $0x800, s11, s16, $0x38;
	[tilespmem:$0x1AC80] =	vst v63  }
0xce: {  	s0 =	simm.s32 @!p0 $0x3  }
0xcf: {  	_ =	swait.ge @!p0 [sflag:s0], $0x1800  }
0xd0: {  	[sflag:s0] =	ssyncset.done @!p0 $0x0  }
0xd1: {  	s23 =	simm.s32 $0x14000;
	[sflag:s0] =	ssyncadd.s32 @!p0 $0xFFFFE800  }
0xd2: {  	v0 =	vld.idx.msk [tilespmem:v9+s23+$0x0], $0xffff;
	_ =	sdelay $0x4  }
0xd3: {  	v0 =	vxor.u32 $0x80000000, v0  }
0xd4: {  	(xrf0) =	vmax.scan.msk.u32 $0xffff, v0;
	_ =	sdelay $0x5  }
0xd5: {  	v0, _, _ =	vpop (xrf0)  }
0xd6: {  	(v2sf) =	vpush v0, $0xF;
	_ =	sdelay $0x6  }
0xd7: {  	v0 =	vor.u32 $0x80, v9  }
0xd8: {  	v1 =	vor.u32 $0x100, v9  }
0xd9: {  	v2 =	vor.u32 $0x180, v9  }
0xda: {  	v4 =	vor.u32 $0x200, v9  }
0xdb: {  	v7 =	vor.u32 $0x280, v9;
	v3 =	vld.idx.msk [tilespmem:v9+s13+$0x0], $0xffff  }
0xdc: {  	v10 =	vor.u32 $0x300, v9;
	v6 =	vld.idx.msk [tilespmem:v0+s13+$0x0], $0xffff  }
0xdd: {  	v0 =	vld.idx.msk [tilespmem:v1+s13+$0x0], $0xffff;
	v1 =	vor.u32 $0x380, v9  }
0xde: {  	v11 =	vor.u32 $0x400, v9;
	v5 =	vld.idx.msk [tilespmem:v2+s13+$0x0], $0xffff  }
0xdf: {  	v8 =	vld.idx.msk [tilespmem:v4+s13+$0x0], $0xffff;
	s24 =	spop (v2sf)  }
0xe0: {  	s25 =	simm.s32 $0x0;
	v2 =	vld.idx.msk [tilespmem:v7+s13+$0x0], $0xffff;
	s0 =	sshll.u32 s24, $0xF  }
0xe1: {  	s26 =	sand.u32 $0x1E00, s25;
	v4 =	vld.idx.msk [tilespmem:v10+s13+$0x0], $0xffff;
	s31 =	sshra.s32 s0, $0x2  }
0xe2: {  	s14 =	sand.u32 $0x40, s25;
	v7 =	vld.idx.msk [tilespmem:v1+s13+$0x0], $0xffff;
	s0 =	sadd.s32 s26, s31  }
0xe3: {  	s30 =	sor.u32 $0x20, s14;
	v1 =	vld.idx.msk [tilespmem:v11+s13+$0x0], $0xffff;
	s28 =	sadd.s32 s14, s0  }
0xe4: {  	s7 =	sor.u32 $0x30, s14;
	s3 =	sadd.s32 s30, s0;
	v10 =	vld [tilespmem:s28+$0x100]  }
0xe5: {  	s5 =	sadd.s32 s7, s0;
	v12 =	vld [tilespmem:s3+$0x0]  }
0xe6: {  	v11 =	vld [tilespmem:s5+$0x0]  }
0xe7: {  	v19 =	vld [tilespmem:s5+$0x80]  }
0xe8: {  	v61 =	vld [tilespmem:s3+$0x100]  }
0xe9: {  	v16 =	vld [tilespmem:s28+$0x80];
	v15 =	vmul.f32 v10, v2;
	v30 =	vmul.f32 v10, v0  }
0xea: {  	v24 =	vld [tilespmem:s3+$0x80];
	v13 =	vmul.f32 v10, v1;
	v23 =	vmul.f32 v12, v3  }
0xeb: {  	v29 =	vor.u32 $0xA00, v9;
	s4 =	sor.u32 $0x10, s14;
	v25 =	vmul.f32 v11, v3;
	v18 =	vmul.f32 v11, v5  }
0xec: {  	s10 =	sadd.s32 s4, s0;
	v31 =	vld [tilespmem:s28+$0x0];
	v10 =	vor.u32 $0x900, v9;
	v11 =	vmul.f32 v11, v4;
	v21 =	vmul.f32 v19, v7  }
0xed: {  	v17 =	vld [tilespmem:s10+$0x80];
	v26 =	vmul.f32 v12, v5;
	v27 =	vmul.f32 v61, v2  }
0xee: {  	v20 =	vor.u32 $0x980, v9;
	v33 =	vmul.f32 v16, v6;
	v28 =	vmul.f32 v19, v8  }
0xef: {  	v14 =	vld [tilespmem:s10+$0x100];
	v34 =	vmul.f32 v24, v6;
	v35 =	vmul.f32 v61, v0  }
0xf0: {  	v36 =	vmul.f32 v24, v8;
	v63 =	vmul.f32 v12, v4;
	v12 =	vld.idx.msk [tilespmem:v29+s13+$0x0], $0xffff  }
0xf1: {  	v62 =	vmul.f32 v24, v7;
	v24 =	vmul.f32 v31, v3;
	v9 =	vld.idx.msk [tilespmem:v10+s13+$0x0], $0xffff  }
0xf2: {  	v22 =	vmul.f32 v17, v6;
	v37 =	vmul.f32 v19, v6;
	v19 =	vld [tilespmem:s5+$0x100];
	v34 =	vadd.f32 v34, v23  }
0xf3: {  	v29 =	vmul.f32 v16, v8;
	v26 =	vadd.f32 v36, v26;
	v33 =	vadd.f32 v33, v24;
	v10 =	vld.idx.msk [tilespmem:v20+s13+$0x0], $0xffff  }
0xf4: {  	s23 =	sand.u32 $0x780, s25;
	v32 =	vmul.f32 v61, v1;
	v24 =	vadd.f32 v37, v25;
	v25 =	vld [tilespmem:s10+$0x0];
	v34 =	vadd.f32 v35, v34  }
0xf5: {  	s2 =	simm.s32 $0x40;
	s1 =	sadd.s32 $0x17C80, s23;
	s21 =	sadd.s32 $0x18480, s23;
	v11 =	vadd.f32 v21, v11;
	v18 =	vadd.f32 v28, v18;
	v21 =	vmul.f32 v14, v0  }
0xf6: {  	s9 =	simm.s32 $0x100;
	s20 =	sor.u32 s14, s21;
	s29 =	sor.u32 s30, s1;
	v23 =	vmul.f32 v17, v8;
	v26 =	vadd.f32 v27, v26;
	v34 =	vadd.f32 v34, v9  }
0xf7: {  	s18 =	sor.u32 s4, s1;
	s17 =	sor.u32 s4, s21;
	s1 =	sor.u32 s7, s1;
	v28 =	vmul.f32 v31, v5;
	v27 =	vmul.f32 v31, v4;
	v30 =	vadd.f32 v30, v33  }
0xf8: {  	s24 =	simm.s32 $0x0;
	s26 =	sor.u32 s30, s21;
	s0 =	simm.s32 $0x0;
	v31 =	vadd.f32 v62, v63;
	v20 =	vmul.f32 v14, v2;
	v26 =	vadd.f32 v26, v10;
	[tilespmem:s29+$0x0] =	vst v34  }
.LBB2_7:
0xf9: {  	s22 =	sand.u32 $0x40, s2;
	s3 =	sand.u32 $0x1E00, s9;
	s0 =	sadd.s32 $0x4, s0;
	v28 =	vadd.f32 v29, v28;
	v29 =	vmul.f32 v25, v3;
	v33 =	vmul.f32 v19, v2  }
0xfa: {  	v34 =	vmul.f32 v25, v5;
	s3 =	sadd.s32 s3, s31;
	s5 =	sor.u32 $0x10, s22;
	s10 =	sor.u32 $0x20, s22;
	v30 =	vadd.f32 v30, v9;
	v31 =	vadd.f32 v32, v31  }
0xfb: {  	v16 =	vmul.f32 v16, v7;
	s28 =	sadd.s32 s22, s3;
	s19 =	sadd.s32 s5, s3;
	s29 =	sadd.s32 s10, s3;
	v15 =	vadd.f32 v15, v28;
	v22 =	vadd.f32 v22, v29  }
0xfc: {  	s23 =	sadd.s32 $0x18C80, s23;
	v17 =	vmul.f32 v17, v7;
	s21 =	sor.u32 s7, s21;
	s25 =	sor.u32 $0x30, s22;
	v23 =	vadd.f32 v23, v34;
	v28 =	vld [tilespmem:s28+$0x100];
	[tilespmem:s24+$0x17C80] =	vst v30;
	v29 =	vadd.f32 v31, v12  }
0xfd: {  	s3 =	sadd.s32 s25, s3;
	v27 =	vadd.f32 v16, v27;
	v16 =	vmul.f32 v25, v4;
	s24 =	sor.u32 s4, s23;
	s4 =	sor.u32 s30, s23;
	v30 =	vld [tilespmem:s29+$0x0];
	v15 =	vadd.f32 v15, v10;
	[tilespmem:s26+$0x0] =	vst v26  }
0xfe: {  	p1 =	slt.u32 s0, $0x7C;
	s30 =	smov.u32 s10;
	v21 =	vadd.f32 v21, v22;
	v20 =	vadd.f32 v20, v23;
	v22 =	vmul.f32 v19, v0;
	v25 =	vld [tilespmem:s3+$0x0];
	[tilespmem:s4+$0x0] =	vst v29;
	s4 =	smov.u32 s5  }
0xff: {  	v14 =	vmul.f32 v14, v1;
	v16 =	vadd.f32 v17, v16;
	v17 =	vadd.f32 v33, v18;
	v23 =	vld [tilespmem:s3+$0x100];
	[tilespmem:s20+$0x0] =	vst v15  }
0x100: {  	v19 =	vmul.f32 v19, v1;
	v18 =	vadd.f32 v21, v9;
	v21 =	vadd.f32 v22, v24;
	v26 =	vld [tilespmem:s3+$0x80]  }
0x101: {  	v14 =	vadd.f32 v14, v16;
	v22 =	vadd.f32 v17, v10;
	v15 =	vmul.f32 v28, v2;
	v32 =	vld [tilespmem:s29+$0x100]  }
0x102: {  	v20 =	vadd.f32 v20, v10;
	v31 =	vmul.f32 v28, v0;
	v24 =	vmul.f32 v28, v1;
	v16 =	vld [tilespmem:s28+$0x80]  }
0x103: {  	v21 =	vadd.f32 v21, v9;
	v29 =	vmul.f32 v30, v3;
	v28 =	vld [tilespmem:s29+$0x80];
	[tilespmem:s18+$0x0] =	vst v18;
	v18 =	vadd.f32 v14, v12  }
0x104: {  	v13 =	vadd.f32 v13, v27;
	v33 =	vmul.f32 v25, v3;
	v34 =	vmul.f32 v25, v5;
	v17 =	vld [tilespmem:s19+$0x80];
	[tilespmem:s17+$0x0] =	vst v20  }
0x105: {  	v11 =	vadd.f32 v19, v11;
	v20 =	vmul.f32 v25, v4;
	v14 =	vld [tilespmem:s19+$0x100];
	v25 =	vmul.f32 v26, v7;
	[tilespmem:s1+$0x0] =	vst v21  }
0x106: {  	v13 =	vadd.f32 v13, v12;
	v27 =	vmul.f32 v30, v5;
	v35 =	vmul.f32 v32, v2;
	[tilespmem:s21+$0x0] =	vst v22  }
0x107: {  	v38 =	vadd.f32 v11, v12;
	v21 =	vmul.f32 v26, v8;
	v36 =	vld [tilespmem:s28+$0x0];
	v37 =	vmul.f32 v16, v6;
	[tilespmem:s24+$0x0] =	vst v18  }
0x108: {  	s3 =	sor.u32 s7, s23;
	v19 =	vmovc v23;
	s1 =	sor.u32 s14, s23;
	s14 =	smov.u32 s22;
	v40 =	vmul.f32 v32, v0;
	v11 =	vadd.f32 v25, v20;
	v39 =	vmul.f32 v28, v6  }
0x109: {  	s7 =	smov.u32 s25;
	v18 =	vadd.f32 v21, v34;
	v25 =	vmul.f32 v28, v8;
	v22 =	vmul.f32 v17, v6;
	[tilespmem:s1+$0x0] =	vst v13  }
0x10a: {  	v21 =	vmul.f32 v14, v0;
	v20 =	vmul.f32 v14, v2;
	v29 =	vadd.f32 v39, v29;
	[tilespmem:s3+$0x0] =	vst v38  }
0x10b: {  	v34 =	vmul.f32 v28, v7;
	v23 =	vmul.f32 v17, v8;
	v13 =	vmovc v24;
	v27 =	vadd.f32 v25, v27  }
.Ltmp2:
0x10c: {  	v24 =	vmul.f32 v36, v3;
	v28 =	vmul.f32 v36, v5;
	v25 =	vld [tilespmem:s19+$0x0];
	v38 =	vadd.f32 v40, v29;
	(pc) =	sbr.rel @p1 .LBB2_7-.Ltmp2, $4  }
0x10d: {  	s23 =	sand.u32 $0x780, s2;
	s2 =	sadd.s32 $0x40, s2;
	s24 =	sshra.s32 s9, $0x2;
	v39 =	vmul.f32 v30, v4;
	v30 =	vmul.f32 v26, v6;
	v35 =	vadd.f32 v35, v27  }
0x10e: {  	s21 =	sadd.s32 $0x18480, s23;
	s9 =	sadd.s32 $0x100, s9;
	s1 =	sadd.s32 $0x17C80, s23;
	v29 =	vmul.f32 v16, v8;
	v37 =	vadd.f32 v37, v24;
	v38 =	vadd.f32 v38, v9  }
0x10f: {  	s20 =	sor.u32 s14, s21;
	s26 =	sor.u32 s30, s21;
	s3 =	sor.u32 s30, s1;
	v27 =	vmul.f32 v36, v4;
	v26 =	vadd.f32 v35, v10;
	v24 =	vadd.f32 v30, v33  }
0x110: {  	v32 =	vmul.f32 v32, v1;
	s17 =	sor.u32 s4, s21;
	s18 =	sor.u32 s4, s1;
	s1 =	sor.u32 s7, s1;
	v30 =	vadd.f32 v31, v37;
	[tilespmem:s3+$0x0] =	vst v38;
	v31 =	vadd.f32 v34, v39  }
0x111: {  	v6 =	vadd.f32 v29, v28;
	v3 =	vmul.f32 v25, v3  }
0x112: {  	v5 =	vmul.f32 v25, v5;
	v0 =	vmul.f32 v19, v0;
	v8 =	vadd.f32 v30, v9  }
0x113: {  	v2 =	vmul.f32 v19, v2;
	v28 =	vadd.f32 v32, v31;
	v6 =	vadd.f32 v15, v6  }
0x114: {  	v4 =	vmul.f32 v25, v4;
	v3 =	vadd.f32 v22, v3;
	v5 =	vadd.f32 v23, v5  }
0x115: {  	v15 =	vmul.f32 v16, v7;
	v0 =	vadd.f32 v0, v24;
	v2 =	vadd.f32 v2, v18  }
0x116: {  	s0 =	sadd.s32 $0x18C80, s23;
	[tilespmem:s26+$0x0] =	vst v26;
	v7 =	vmul.f32 v17, v7;
	v16 =	vadd.f32 v28, v12;
	v6 =	vadd.f32 v6, v10  }
0x117: {  	s2 =	sor.u32 s30, s0;
	[tilespmem:s24+$0x17C80] =	vst v8;
	v8 =	vadd.f32 v15, v27;
	v3 =	vadd.f32 v21, v3  }
0x118: {  	v4 =	vadd.f32 v7, v4;
	v7 =	vmul.f32 v14, v1;
	v0 =	vadd.f32 v0, v9;
	[tilespmem:s2+$0x0] =	vst v16  }
0x119: {  	v5 =	vadd.f32 v20, v5;
	v1 =	vmul.f32 v19, v1;
	v2 =	vadd.f32 v2, v10;
	[tilespmem:s20+$0x0] =	vst v6  }
0x11a: {  	s5 =	sor.u32 s7, s21;
	v3 =	vadd.f32 v3, v9;
	v4 =	vadd.f32 v7, v4;
	[tilespmem:s1+$0x0] =	vst v0  }
0x11b: {  	v5 =	vadd.f32 v5, v10;
	v0 =	vadd.f32 v1, v11;
	[tilespmem:s5+$0x0] =	vst v2  }
0x11c: {  	s10 =	sshll.u32 s8, $0x4;
	[tilespmem:s18+$0x0] =	vst v3;
	v3 =	vadd.f32 v13, v8;
	v4 =	vadd.f32 v4, v12  }
0x11d: {  	s9 =	sor.u32 s4, s0;
	s2 =	sand.u32 $0x60, s10;
	v0 =	vadd.f32 v0, v12;
	[tilespmem:s17+$0x0] =	vst v5  }
0x11e: {  	s18 =	rddreg [dreg:$0x3];
	s17 =	sor.u32 s14, s0;
	s0 =	sor.u32 s7, s0;
	v1 =	vadd.f32 v3, v12;
	[tilespmem:s9+$0x0] =	vst v4  }
0x11f: {  	s1 =	sadd.s32 s18, s2;
	[tilespmem:s0+$0x0] =	vst v0  }
0x120: {  	s20 =	simm.s32 $0x17C80;
	s19 =	sadd.s32 s6, s1;
	[tilespmem:s17+$0x0] =	vst v1  }
0x121: {  	[hbm4b:s19+s16] =	stream.strided.scatter [tilespmem:s20], [sflag:$0x3], $0x800, s11, s16, $0x38;
	[tilespmem:$0x1AC80] =	vst v63  }
0x122: {  	s22 =	simm.s32 $0x18480;
	s21 =	sadd.s32 $0x100000, s19  }
0x123: {  	[hbm4b:s21+s16] =	stream.strided.scatter [tilespmem:s22], [sflag:$0x3], $0x800, s11, s16, $0x38;
	[tilespmem:$0x1AC80] =	vst v63  }
0x124: {  	s8 =	sor.u32 $0x3, s15;
	s23 =	simm.s32 $0x18C80;
	s0 =	sadd.s32 $0x200000, s19  }
0x125: {  	v9 =	vmov s8;
	[hbm4b:s0+s16] =	stream.strided.scatter [tilespmem:s23], [sflag:$0x3], $0x800, s11, s16, $0x38;
	[tilespmem:$0x1AC80] =	vst v63  }
0x126: {  	s0 =	simm.s32 @!p0 $0x4  }
0x127: {  	_ =	swait.ge @!p0 [sflag:s0], $0x1800  }
0x128: {  	[sflag:s0] =	ssyncset.done @!p0 $0x0  }
0x129: {  	s24 =	simm.s32 $0x14000;
	[sflag:s0] =	ssyncadd.s32 @!p0 $0xFFFFE800  }
0x12a: {  	v0 =	vld.idx.msk [tilespmem:v9+s24+$0x0], $0xffff;
	_ =	sdelay $0x4  }
0x12b: {  	v0 =	vxor.u32 $0x80000000, v0  }
0x12c: {  	(xrf0) =	vmax.scan.msk.u32 $0xffff, v0;
	_ =	sdelay $0x5  }
0x12d: {  	v0, _, _ =	vpop (xrf0)  }
0x12e: {  	(v2sf) =	vpush v0, $0xF;
	_ =	sdelay $0x6  }
0x12f: {  	v0 =	vor.u32 $0x80, v9  }
0x130: {  	v1 =	vor.u32 $0x100, v9  }
0x131: {  	v2 =	vor.u32 $0x180, v9  }
0x132: {  	v4 =	vor.u32 $0x200, v9  }
0x133: {  	v7 =	vor.u32 $0x280, v9;
	v3 =	vld.idx.msk [tilespmem:v9+s13+$0x0], $0xffff  }
0x134: {  	v10 =	vor.u32 $0x300, v9;
	v6 =	vld.idx.msk [tilespmem:v0+s13+$0x0], $0xffff  }
0x135: {  	v0 =	vld.idx.msk [tilespmem:v1+s13+$0x0], $0xffff;
	v1 =	vor.u32 $0x380, v9  }
0x136: {  	v11 =	vor.u32 $0x400, v9;
	v5 =	vld.idx.msk [tilespmem:v2+s13+$0x0], $0xffff  }
0x137: {  	v8 =	vld.idx.msk [tilespmem:v4+s13+$0x0], $0xffff;
	s25 =	spop (v2sf)  }
0x138: {  	s26 =	simm.s32 $0x0;
	v2 =	vld.idx.msk [tilespmem:v7+s13+$0x0], $0xffff;
	s0 =	sshll.u32 s25, $0xF  }
0x139: {  	s28 =	sand.u32 $0x1E00, s26;
	v4 =	vld.idx.msk [tilespmem:v10+s13+$0x0], $0xffff;
	s30 =	sshra.s32 s0, $0x2  }
0x13a: {  	s14 =	sand.u32 $0x40, s26;
	v7 =	vld.idx.msk [tilespmem:v1+s13+$0x0], $0xffff;
	s0 =	sadd.s32 s28, s30  }
0x13b: {  	s15 =	sor.u32 $0x20, s14;
	v1 =	vld.idx.msk [tilespmem:v11+s13+$0x0], $0xffff;
	s29 =	sadd.s32 s14, s0  }
0x13c: {  	s7 =	sor.u32 $0x30, s14;
	s3 =	sadd.s32 s15, s0;
	v10 =	vld [tilespmem:s29+$0x100]  }
0x13d: {  	s5 =	sadd.s32 s7, s0;
	v12 =	vld [tilespmem:s3+$0x0]  }
0x13e: {  	v11 =	vld [tilespmem:s5+$0x0]  }
0x13f: {  	v19 =	vld [tilespmem:s5+$0x80]  }
0x140: {  	v61 =	vld [tilespmem:s3+$0x100]  }
0x141: {  	v16 =	vld [tilespmem:s29+$0x80];
	v15 =	vmul.f32 v10, v2;
	v30 =	vmul.f32 v10, v0  }
0x142: {  	v24 =	vld [tilespmem:s3+$0x80];
	v13 =	vmul.f32 v10, v1;
	v23 =	vmul.f32 v12, v3  }
0x143: {  	v29 =	vor.u32 $0xA00, v9;
	s4 =	sor.u32 $0x10, s14;
	v25 =	vmul.f32 v11, v3;
	v18 =	vmul.f32 v11, v5  }
0x144: {  	s10 =	sadd.s32 s4, s0;
	v31 =	vld [tilespmem:s29+$0x0];
	v10 =	vor.u32 $0x900, v9;
	v11 =	vmul.f32 v11, v4;
	v21 =	vmul.f32 v19, v7  }
0x145: {  	v17 =	vld [tilespmem:s10+$0x80];
	v26 =	vmul.f32 v12, v5;
	v27 =	vmul.f32 v61, v2  }
0x146: {  	v20 =	vor.u32 $0x980, v9;
	v33 =	vmul.f32 v16, v6;
	v28 =	vmul.f32 v19, v8  }
0x147: {  	v14 =	vld [tilespmem:s10+$0x100];
	v34 =	vmul.f32 v24, v6;
	v35 =	vmul.f32 v61, v0  }
0x148: {  	v36 =	vmul.f32 v24, v8;
	v63 =	vmul.f32 v12, v4;
	v12 =	vld.idx.msk [tilespmem:v29+s13+$0x0], $0xffff  }
0x149: {  	v62 =	vmul.f32 v24, v7;
	v24 =	vmul.f32 v31, v3;
	v9 =	vld.idx.msk [tilespmem:v10+s13+$0x0], $0xffff  }
0x14a: {  	v22 =	vmul.f32 v17, v6;
	v37 =	vmul.f32 v19, v6;
	v19 =	vld [tilespmem:s5+$0x100];
	v34 =	vadd.f32 v34, v23  }
0x14b: {  	v29 =	vmul.f32 v16, v8;
	v26 =	vadd.f32 v36, v26;
	v33 =	vadd.f32 v33, v24;
	v10 =	vld.idx.msk [tilespmem:v20+s13+$0x0], $0xffff  }
0x14c: {  	s23 =	sand.u32 $0x780, s26;
	v32 =	vmul.f32 v61, v1;
	v24 =	vadd.f32 v37, v25;
	v25 =	vld [tilespmem:s10+$0x0];
	v34 =	vadd.f32 v35, v34  }
0x14d: {  	s2 =	simm.s32 $0x40;
	s1 =	sadd.s32 $0x19480, s23;
	s21 =	sadd.s32 $0x19C80, s23;
	v11 =	vadd.f32 v21, v11;
	v18 =	vadd.f32 v28, v18;
	v21 =	vmul.f32 v14, v0  }
0x14e: {  	s9 =	simm.s32 $0x100;
	s20 =	sor.u32 s14, s21;
	s31 =	sor.u32 s15, s1;
	v23 =	vmul.f32 v17, v8;
	v26 =	vadd.f32 v27, v26;
	v34 =	vadd.f32 v34, v9  }
0x14f: {  	s26 =	sor.u32 s15, s21;
	s18 =	sor.u32 s4, s1;
	s17 =	sor.u32 s4, s21;
	v28 =	vmul.f32 v31, v5;
	v27 =	vmul.f32 v31, v4;
	v30 =	vadd.f32 v30, v33  }
0x150: {  	s1 =	sor.u32 s7, s1;
	s24 =	simm.s32 $0x0;
	s0 =	simm.s32 $0x0;
	v31 =	vadd.f32 v62, v63;
	v20 =	vmul.f32 v14, v2;
	v26 =	vadd.f32 v26, v10;
	[tilespmem:s31+$0x0] =	vst v34  }
.LBB2_9:
0x151: {  	s22 =	sand.u32 $0x40, s2;
	s3 =	sand.u32 $0x1E00, s9;
	s0 =	sadd.s32 $0x4, s0;
	v28 =	vadd.f32 v29, v28;
	v29 =	vmul.f32 v25, v3;
	v33 =	vmul.f32 v19, v2  }
0x152: {  	v34 =	vmul.f32 v25, v5;
	s3 =	sadd.s32 s3, s30;
	s5 =	sor.u32 $0x10, s22;
	s10 =	sor.u32 $0x20, s22;
	v30 =	vadd.f32 v30, v9;
	v31 =	vadd.f32 v32, v31  }
0x153: {  	v16 =	vmul.f32 v16, v7;
	s28 =	sadd.s32 s22, s3;
	s19 =	sadd.s32 s5, s3;
	s29 =	sadd.s32 s10, s3;
	v15 =	vadd.f32 v15, v28;
	v22 =	vadd.f32 v22, v29  }
0x154: {  	s23 =	sadd.s32 $0x1A480, s23;
	v17 =	vmul.f32 v17, v7;
	s21 =	sor.u32 s7, s21;
	s25 =	sor.u32 $0x30, s22;
	v23 =	vadd.f32 v23, v34;
	v28 =	vld [tilespmem:s28+$0x100];
	[tilespmem:s24+$0x19480] =	vst v30;
	v29 =	vadd.f32 v31, v12  }
0x155: {  	s3 =	sadd.s32 s25, s3;
	v27 =	vadd.f32 v16, v27;
	v16 =	vmul.f32 v25, v4;
	s24 =	sor.u32 s4, s23;
	s4 =	sor.u32 s15, s23;
	v30 =	vld [tilespmem:s29+$0x0];
	v15 =	vadd.f32 v15, v10;
	[tilespmem:s26+$0x0] =	vst v26  }
0x156: {  	p0 =	slt.u32 s0, $0x7C;
	s15 =	smov.u32 s10;
	v21 =	vadd.f32 v21, v22;
	v20 =	vadd.f32 v20, v23;
	v22 =	vmul.f32 v19, v0;
	v25 =	vld [tilespmem:s3+$0x0];
	[tilespmem:s4+$0x0] =	vst v29;
	s4 =	smov.u32 s5  }
0x157: {  	v14 =	vmul.f32 v14, v1;
	v16 =	vadd.f32 v17, v16;
	v17 =	vadd.f32 v33, v18;
	v23 =	vld [tilespmem:s3+$0x100];
	[tilespmem:s20+$0x0] =	vst v15  }
0x158: {  	v19 =	vmul.f32 v19, v1;
	v18 =	vadd.f32 v21, v9;
	v21 =	vadd.f32 v22, v24;
	v26 =	vld [tilespmem:s3+$0x80]  }
0x159: {  	v14 =	vadd.f32 v14, v16;
	v22 =	vadd.f32 v17, v10;
	v15 =	vmul.f32 v28, v2;
	v32 =	vld [tilespmem:s29+$0x100]  }
0x15a: {  	v20 =	vadd.f32 v20, v10;
	v31 =	vmul.f32 v28, v0;
	v24 =	vmul.f32 v28, v1;
	v16 =	vld [tilespmem:s28+$0x80]  }
0x15b: {  	v21 =	vadd.f32 v21, v9;
	v29 =	vmul.f32 v30, v3;
	v28 =	vld [tilespmem:s29+$0x80];
	[tilespmem:s18+$0x0] =	vst v18;
	v18 =	vadd.f32 v14, v12  }
0x15c: {  	v13 =	vadd.f32 v13, v27;
	v33 =	vmul.f32 v25, v3;
	v34 =	vmul.f32 v25, v5;
	v17 =	vld [tilespmem:s19+$0x80];
	[tilespmem:s17+$0x0] =	vst v20  }
0x15d: {  	v11 =	vadd.f32 v19, v11;
	v20 =	vmul.f32 v25, v4;
	v14 =	vld [tilespmem:s19+$0x100];
	v25 =	vmul.f32 v26, v7;
	[tilespmem:s1+$0x0] =	vst v21  }
0x15e: {  	v13 =	vadd.f32 v13, v12;
	v27 =	vmul.f32 v30, v5;
	v35 =	vmul.f32 v32, v2;
	[tilespmem:s21+$0x0] =	vst v22  }
0x15f: {  	v38 =	vadd.f32 v11, v12;
	v21 =	vmul.f32 v26, v8;
	v36 =	vld [tilespmem:s28+$0x0];
	v37 =	vmul.f32 v16, v6;
	[tilespmem:s24+$0x0] =	vst v18  }
0x160: {  	s3 =	sor.u32 s7, s23;
	v19 =	vmovc v23;
	s1 =	sor.u32 s14, s23;
	s14 =	smov.u32 s22;
	v40 =	vmul.f32 v32, v0;
	v11 =	vadd.f32 v25, v20;
	v39 =	vmul.f32 v28, v6  }
0x161: {  	s7 =	smov.u32 s25;
	v18 =	vadd.f32 v21, v34;
	v25 =	vmul.f32 v28, v8;
	v22 =	vmul.f32 v17, v6;
	[tilespmem:s1+$0x0] =	vst v13  }
0x162: {  	v21 =	vmul.f32 v14, v0;
	v20 =	vmul.f32 v14, v2;
	v29 =	vadd.f32 v39, v29;
	[tilespmem:s3+$0x0] =	vst v38  }
0x163: {  	v34 =	vmul.f32 v28, v7;
	v23 =	vmul.f32 v17, v8;
	v13 =	vmovc v24;
	v27 =	vadd.f32 v25, v27  }
.Ltmp3:
0x164: {  	v24 =	vmul.f32 v36, v3;
	v28 =	vmul.f32 v36, v5;
	v25 =	vld [tilespmem:s19+$0x0];
	v38 =	vadd.f32 v40, v29;
	(pc) =	sbr.rel @p0 .LBB2_9-.Ltmp3, $4  }
0x165: {  	s23 =	sand.u32 $0x780, s2;
	s2 =	sadd.s32 $0x40, s2;
	s24 =	sshra.s32 s9, $0x2;
	v39 =	vmul.f32 v30, v4;
	v30 =	vmul.f32 v26, v6;
	v35 =	vadd.f32 v35, v27  }
0x166: {  	s21 =	sadd.s32 $0x19C80, s23;
	s9 =	sadd.s32 $0x100, s9;
	s1 =	sadd.s32 $0x19480, s23;
	v29 =	vmul.f32 v16, v8;
	v37 =	vadd.f32 v37, v24;
	v38 =	vadd.f32 v38, v9  }
0x167: {  	s20 =	sor.u32 s14, s21;
	s26 =	sor.u32 s15, s21;
	s3 =	sor.u32 s15, s1;
	v27 =	vmul.f32 v36, v4;
	v26 =	vadd.f32 v35, v10;
	v24 =	vadd.f32 v30, v33  }
0x168: {  	v32 =	vmul.f32 v32, v1;
	s17 =	sor.u32 s4, s21;
	s18 =	sor.u32 s4, s1;
	s1 =	sor.u32 s7, s1;
	v30 =	vadd.f32 v31, v37;
	[tilespmem:s3+$0x0] =	vst v38;
	v31 =	vadd.f32 v34, v39  }
0x169: {  	v6 =	vadd.f32 v29, v28;
	v3 =	vmul.f32 v25, v3;
	v5 =	vmul.f32 v25, v5  }
0x16a: {  	v55 =	vmul.f32 v16, v7;
	v56 =	vmul.f32 v17, v7;
	v8 =	vadd.f32 v30, v9  }
0x16b: {  	v4 =	vmul.f32 v25, v4;
	v54 =	vadd.f32 v32, v31;
	v6 =	vadd.f32 v15, v6  }
0x16c: {  	v0 =	vmul.f32 v19, v0;
	v3 =	vadd.f32 v22, v3;
	v5 =	vadd.f32 v23, v5  }
0x16d: {  	v2 =	vmul.f32 v19, v2;
	v58 =	vadd.f32 v55, v27;
	v4 =	vadd.f32 v56, v4  }
0x16e: {  	s0 =	sadd.s32 $0x1A480, s23;
	[tilespmem:s26+$0x0] =	vst v26;
	v0 =	vadd.f32 v0, v24;
	v57 =	vadd.f32 v54, v12  }
0x16f: {  	s2 =	sor.u32 s15, s0;
	v2 =	vadd.f32 v2, v18;
	[tilespmem:s24+$0x19480] =	vst v8;
	v6 =	vadd.f32 v6, v10  }
0x170: {  	v60 =	vmul.f32 v19, v1;
	v3 =	vadd.f32 v21, v3;
	v0 =	vadd.f32 v0, v9;
	[tilespmem:s2+$0x0] =	vst v57  }
0x171: {  	v2 =	vadd.f32 v2, v10;
	v61 =	vadd.f32 v13, v58;
	[tilespmem:s20+$0x0] =	vst v6  }
0x172: {  	v59 =	vmul.f32 v14, v1;
	s21 =	sor.u32 s7, s21;
	v62 =	vadd.f32 v60, v11;
	v3 =	vadd.f32 v3, v9;
	[tilespmem:s1+$0x0] =	vst v0  }
0x173: {  	v5 =	vadd.f32 v20, v5;
	v63 =	vadd.f32 v61, v12;
	[tilespmem:s21+$0x0] =	vst v2  }
0x174: {  	s24 =	sor.u32 s14, s0;
	v4 =	vadd.f32 v59, v4;
	v0 =	vadd.f32 v62, v12;
	[tilespmem:s18+$0x0] =	vst v3  }
0x175: {  	s23 =	sshll.u32 s8, $0x4;
	s22 =	sor.u32 s4, s0;
	s0 =	sor.u32 s7, s0;
	v5 =	vadd.f32 v5, v10;
	[tilespmem:s24+$0x0] =	vst v63  }
0x176: {  	s25 =	rddreg [dreg:$0x3];
	s2 =	sand.u32 $0x70, s23;
	v4 =	vadd.f32 v4, v12;
	[tilespmem:s0+$0x0] =	vst v0  }
0x177: {  	s12 =	sadd.s32 $0x1, s12;
	s1 =	sadd.s32 s25, s2;
	[tilespmem:s17+$0x0] =	vst v5  }
0x178: {  	s28 =	simm.s32 $0x19480;
	p0 =	sne.s32 s12, $0x20;
	s26 =	sadd.s32 s6, s1;
	[tilespmem:s22+$0x0] =	vst v4  }
0x179: {  	[hbm4b:s26+s16] =	stream.strided.scatter [tilespmem:s28], [sflag:$0x4], $0x800, s11, s16, $0x38;
	[tilespmem:$0x1AC80] =	vst v63  }
.Ltmp4:
0x17a: {  	_ = 	snop;
	(pc) =	sbr.rel @p0 .LBB2_2-.Ltmp4, $4  }
0x17b: {  	s30 =	simm.s32 $0x19C80;
	s29 =	sadd.s32 $0x100000, s26  }
0x17c: {  	[hbm4b:s29+s16] =	stream.strided.scatter [tilespmem:s30], [sflag:$0x4], $0x800, s11, s16, $0x38;
	[tilespmem:$0x1AC80] =	vst v63  }
0x17d: {  	s31 =	simm.s32 $0x1A480;
	s0 =	sadd.s32 $0x200000, s26  }
0x17e: {  	[hbm4b:s0+s16] =	stream.strided.scatter [tilespmem:s31], [sflag:$0x4], $0x800, s11, s16, $0x38;
	[tilespmem:$0x1AC80] =	vst v63  }
0x17f: {  	s0 =	simm.s32 $0x1  }
0x180: {  	_ =	swait.ge [sflag:s0], $0x1800  }
0x181: {  	[sflag:s0] =	ssyncset.done $0x0  }
0x182: {  	s29 =	simm.s32 $0x2;
	[sflag:s0] =	ssyncadd.s32 $0xFFFFE800  }
0x183: {  	_ =	swait.ge [sflag:s29], $0x1800  }
0x184: {  	[sflag:s29] =	ssyncset.done $0x0  }
0x185: {  	s30 =	simm.s32 $0x3;
	[sflag:s29] =	ssyncadd.s32 $0xFFFFE800  }
0x186: {  	_ =	swait.ge [sflag:s30], $0x1800  }
0x187: {  	[sflag:s30] =	ssyncset.done $0x0  }
0x188: {  	s1 =	simm.s32 $0x4;
	[sflag:s30] =	ssyncadd.s32 $0xFFFFE800  }
0x189: {  	_ =	swait.ge [sflag:s1], $0x1800  }
0x18a: {  	s2 =	rddreg [dreg:$0xa]  }
0x18b: {  	s31 =	rddreg [dreg:$0x8];
	s2 =	sadd.s32 $0x1, s2  }
0x18c: {  	p0 =	sne.s32 s2, s31  }
.Ltmp5:
0x18d: {  	_ = 	snop;
	(pc) =	sbr.rel @p0 .LBB2_1-.Ltmp5, $3  }
0x18e: {  	_ =	sdelay $0x1  }
0x18f: {  	[sflag:s1] =	ssyncset.done $0x0  }
0x190: {  	[sflag:s1] =	ssyncadd.s32 $0xFFFFE800  }
0x191: {  	_ =	sfence.sel $0x180000  }
0x192: {  	[bflag:$0x0] =	sbarrier.arrive $0xFFFF  }
0x193: {  	_ =	strace $0x90000047  }
0x194: {  	s0 =	stileid.u32;
	[bflag:$0x2] =	sbarrier.arrive $0xFFFF  }
0x195: {  	p0 =	sne.s32 s0, $0x0;
	s0 =	rddreg [dreg:$0x4]  }
0x196: {  	s0 =	sadd.s32 @!p0 $0x100000, s0  }
0x197: {  	[sflag:s0] =	ssyncadd.tile.s32 @!p0 $0x1;
	_ =	shalt  }
.Lfunc_end2:
_tile_overlayer_lowered:
.L_overlay_start_2:
0x198: {  	(tag) =	ssettag $0x2  }
0x199: {  	s0 =	rddreg [dreg:$0x0];
	s2 =	stileid.u32  }
0x19a: {  	s1 =	rddreg [dreg:$0x1];
	p0 =	sne.s32 s2, $0x0  }
0x19b: {  	s3 =	rddreg [dreg:$0x2];
	[bflag:$0x3] =	sbarrier.arrive $0xFFFF;
	s2 =	simm.s32 @!p0 $0x1C05  }
0x19c: {  	[timem:s3], [sflag:s2] =	dma.local @!p0 [hbm:s0], s1  }
0x19d: {  	s0 =	simm.s32 @!p0 $0x5  }
0x19e: {  	_ =	swait.ge @!p0 [sflag:s0], s1  }
0x19f: {  	s1 =	ssub.s32 @!p0 $0x0, s1;
	[sflag:s0] =	ssyncset.done @!p0 $0x0  }
0x1a0: {  	[sflag:s0] =	ssyncadd.s32 @!p0 s1  }
0x1a1: {  	[bflag:$0x3] =	sbarrier.arrive $0xFFFF  }
0x1a2: {  	_ =	shalt  }

</sc_bundles>
